<compile_context>
chip_gen: v7x
topology: tpu7x:2x2x1
jax: 0.10.2.dev20260603
libtpu: 0.0.44.dev20260713+nightly
codegen_flags: <defaults>
</compile_context>

<pallas_src>
import jax
import jax.numpy as jnp
from jax import lax
from jax.experimental import pallas as pl
from jax.experimental.pallas import tpu as pltpu
from jax.experimental.pallas import tpu_sc as plsc

N = 10000
E = 320000
D = 128

NC = 2
NS = 16
NW = NC * NS
NPAD = 10240
RPT = NPAD // NS
ZROWS = 32
NZ = RPT // ZROWS
EPW = E // NW
CHUNK = 80
NCHUNK = EPW // CHUNK
DR = NPAD // D


_mesh = plsc.VectorSubcoreMesh(core_axis_name="c", subcore_axis_name="s")


def _seg_body(y, src, dst, z128, outp, acc, sidx, didx, msg, stage):
    c = lax.axis_index("c")
    s = lax.axis_index("s")
    ebase = (c * NS + s) * EPW
    pltpu.sync_copy(z128, stage)

    def zstep(i, carry):
        row = pl.multiple_of((s * NZ + i) * ZROWS, ZROWS)
        pltpu.sync_copy(stage, acc.at[pl.ds(row, ZROWS)])
        return carry

    lax.fori_loop(0, NZ, zstep, 0)
    plsc.subcore_barrier()

    def step(j, carry):
        ebeg = pl.multiple_of(ebase + j * CHUNK, CHUNK)
        pltpu.sync_copy(src.at[pl.ds(ebeg, CHUNK)], sidx)
        pltpu.sync_copy(dst.at[pl.ds(ebeg, CHUNK)], didx)
        pltpu.sync_copy(y.at[sidx], msg)
        pltpu.sync_copy(msg, acc.at[didx], add=True)
        return carry

    lax.fori_loop(0, NCHUNK, step, 0)
    plsc.subcore_barrier()

    def wstep(i, carry):
        row = pl.multiple_of((s * NZ + i) * ZROWS, ZROWS)
        orow = pl.multiple_of(c * NPAD + row, ZROWS)
        pltpu.sync_copy(acc.at[pl.ds(row, ZROWS)], stage)
        pltpu.sync_copy(stage, outp.at[pl.ds(orow, ZROWS)])
        return carry

    lax.fori_loop(0, NZ, wstep, 0)


_seg_sum = pl.kernel(
    _seg_body,
    out_type=jax.ShapeDtypeStruct((NC * NPAD, D), jnp.float32),
    mesh=_mesh,
    scratch_types=[
        pltpu.VMEM_SHARED((NPAD, D), jnp.float32),
        pltpu.VMEM((CHUNK,), jnp.int32),
        pltpu.VMEM((CHUNK,), jnp.int32),
        pltpu.VMEM((CHUNK, D), jnp.float32),
        pltpu.VMEM((ZROWS, D), jnp.float32),
    ],
    name="seg_sum",
)


_EB = 4000
_NEB = E // _EB
_NB = NPAD // 1024
_DB = 1024 // D


def _deghist_body(da, db, out, bscr, hscr):
    e = pl.program_id(0)
    i = pl.program_id(1)

    @pl.when((e == 0) & (i == 0))
    def _zero():
        hscr[...] = jnp.zeros_like(hscr)

    @pl.when(i == 0)
    def _build_b():
        lo = lax.rem(db[0], 128)
        bscr[...] = (lo == lax.broadcasted_iota(jnp.int32, (_EB, D), 1)
                     ).astype(jnp.float32)

    hi = lax.div(da[0], 128)
    tgt = i * _DB + lax.broadcasted_iota(jnp.int32, (_DB, _EB), 0)
    a = (hi == tgt).astype(jnp.float32)
    sl = pl.ds(i * _DB, _DB)
    hscr[sl, :] += jnp.dot(a, bscr[...],
                           preferred_element_type=jnp.float32)

    @pl.when(e == _NEB - 1)
    def _emit():
        out[...] = hscr[sl, :]


_deghist = pl.pallas_call(
    _deghist_body,
    grid=(_NEB, _NB),
    in_specs=[
        pl.BlockSpec((1, 1, _EB), lambda e, i: (e, 0, 0)),
        pl.BlockSpec((1, _EB, 1), lambda e, i: (e, 0, 0)),
    ],
    out_specs=pl.BlockSpec((_DB, D), lambda e, i: (i, 0)),
    out_shape=jax.ShapeDtypeStruct((DR, D), jnp.float32),
    scratch_shapes=[pltpu.VMEM((_EB, D), jnp.float32),
                    pltpu.VMEM((DR, D), jnp.float32)],
)


_RB = 1024

_row_spec = pl.BlockSpec((_RB, D), lambda i: (i, 0))
_pa_spec = pl.BlockSpec((_RB, D), lambda i: (i, 0))
_pb_spec = pl.BlockSpec((_RB, D), lambda i: (_NB + i, 0))
_dg_spec = pl.BlockSpec((_DB, D), lambda i: (i, 0))
_w_spec = pl.BlockSpec((D, D), lambda i: (0, 0))
_b_spec = pl.BlockSpec((1, D), lambda i: (0, 0))


def _rdeg_block(dg):
    r8 = 1.0 / jnp.maximum(dg[...], 1.0)
    rowsel = (lax.broadcasted_iota(jnp.int32, (_RB, _DB), 0) // D ==
              lax.broadcasted_iota(jnp.int32, (_RB, _DB), 1)
              ).astype(jnp.float32)
    colsel = (lax.rem(lax.broadcasted_iota(jnp.int32, (_RB, D), 0), D) ==
              lax.broadcasted_iota(jnp.int32, (_RB, D), 1)
              ).astype(jnp.float32)
    expand = jnp.dot(rowsel, r8, preferred_element_type=jnp.float32)
    return jnp.sum(expand * colsel, axis=1, keepdims=True)


def _pre_body(x, wl, wr, b, y, r):
    xb = x[...]
    y[...] = jnp.dot(xb, wl[...], preferred_element_type=jnp.float32)
    r[...] = jnp.dot(xb, wr[...], preferred_element_type=jnp.float32) + b[...]


_pre = pl.pallas_call(
    _pre_body,
    grid=(_NB,),
    in_specs=[_row_spec, _w_spec, _w_spec, _b_spec],
    out_specs=[_row_spec, _row_spec],
    out_shape=[jax.ShapeDtypeStruct((NPAD, D), jnp.float32)] * 2,
)


def _mid_body(pa, pb, dg, r1, wl, wr, b, y2, r2):
    rdeg = _rdeg_block(dg)
    h = jnp.maximum((pa[...] + pb[...]) * rdeg + r1[...], 0.0)
    y2[...] = jnp.dot(h, wl[...], preferred_element_type=jnp.float32)
    r2[...] = jnp.dot(h, wr[...], preferred_element_type=jnp.float32) + b[...]


_mid = pl.pallas_call(
    _mid_body,
    grid=(_NB,),
    in_specs=[_pa_spec, _pb_spec, _dg_spec, _row_spec,
              _w_spec, _w_spec, _b_spec],
    out_specs=[_row_spec, _row_spec],
    out_shape=[jax.ShapeDtypeStruct((NPAD, D), jnp.float32)] * 2,
)


def _post_body(pa, pb, dg, r2, out):
    rdeg = _rdeg_block(dg)
    out[...] = (pa[...] + pb[...]) * rdeg + r2[...]


_post = pl.pallas_call(
    _post_body,
    grid=(_NB,),
    in_specs=[_pa_spec, _pb_spec, _dg_spec, _row_spec],
    out_specs=_row_spec,
    out_shape=jax.ShapeDtypeStruct((NPAD, D), jnp.float32),
)


def kernel(x, edge_index, W_l1, b_l1, W_r1, W_l2, b_l2, W_r2):
    src = edge_index[0].astype(jnp.int32)
    dst = edge_index[1].astype(jnp.int32)
    z128 = jnp.zeros((ZROWS, D), jnp.float32)
    xp = jnp.zeros((NPAD, D), jnp.float32).at[:N].set(x)

    deg = _deghist(dst.reshape(_NEB, 1, _EB), dst.reshape(_NEB, _EB, 1))
    y1, r1 = _pre(xp, W_l1, W_r1, b_l1.reshape(1, D))
    p1 = _seg_sum(y1, src, dst, z128)
    y2, r2 = _mid(p1, p1, deg, r1, W_l2, W_r2, b_l2.reshape(1, D))
    p2 = _seg_sum(y2, src, dst, z128)
    return _post(p2, p2, deg, r2)[:N]

# --- scband reference (transcript-rebuilt; emitter-appended) ---
"""Pipeline reference for scband-gnnencoder-15049565405308 (READ-ONLY COPY).

The authoritative reference and input builder live on the scoring server;
editing this copy changes nothing except your own understanding.
"""

import jax, jax.numpy as jnp
import numpy as np

N_NODES = 10000
N_EDGES = 320000
D_IN = 128
D_HID = 128
D_OUT = 128


def setup_inputs(seed: int = 0) -> dict:
    key = jax.random.key(seed)
    k = jax.random.split(key, 8)
    x = jax.random.normal(k[0], (N_NODES, D_IN), dtype=jnp.float32)
    edge_index = jax.random.randint(k[1], (2, N_EDGES), 0, N_NODES, dtype=jnp.int64)
    s1 = 1.0 / np.sqrt(D_IN)
    s2 = 1.0 / np.sqrt(D_HID)
    W_l1 = jax.random.normal(k[2], (D_IN, D_HID), dtype=jnp.float32) * s1
    b_l1 = jnp.zeros((D_HID,), dtype=jnp.float32)
    W_r1 = jax.random.normal(k[3], (D_IN, D_HID), dtype=jnp.float32) * s1
    W_l2 = jax.random.normal(k[4], (D_HID, D_OUT), dtype=jnp.float32) * s2
    b_l2 = jnp.zeros((D_OUT,), dtype=jnp.float32)
    W_r2 = jax.random.normal(k[5], (D_HID, D_OUT), dtype=jnp.float32) * s2
    return {"x": x, "edge_index": edge_index, "W_l1": W_l1, "b_l1": b_l1, "W_r1": W_r1, "W_l2": W_l2, "b_l2": b_l2, "W_r2": W_r2}


def _sage_conv(x, edge_index, W_l, b_l, W_r):
    # PyG SAGEConv with mean aggregation:
    # out = lin_l(mean_{j in N(i)} x_j) + lin_r(x_i)
    src = edge_index[0]
    dst = edge_index[1]
    msgs = jnp.take(x, src, axis=0)  # gather
    agg = jax.ops.segment_sum(msgs, dst, num_segments=x.shape[0])  # scatter-add
    deg = jax.ops.segment_sum(jnp.ones((edge_index.shape[1],), dtype=x.dtype), dst, num_segments=x.shape[0])
    agg = agg / jnp.clip(deg, 1.0, None)[:, None]
    return agg @ W_l + b_l + x @ W_r


def reference(x, edge_index, W_l1, b_l1, W_r1, W_l2, b_l2, W_r2):
    # Layer 1: SAGEConv -> ReLU -> Dropout (eval mode: identity)
    h = _sage_conv(x, edge_index, W_l1, b_l1, W_r1)
    h = jax.nn.relu(h)
    # Layer 2: SAGEConv -> Identity -> Dropout (eval mode: identity)
    out = _sage_conv(h, edge_index, W_l2, b_l2, W_r2)
    return out

if __name__ == "__main__":
    import jax
    _d = setup_inputs()
    print(jax.jit(kernel)(*tuple(_d.values())))

</pallas_src>

<mosaic_0001>
#map = affine_map<(d0, d1) -> (0, 0)>
#map1 = affine_map<(d0, d1) -> (0)>
module attributes {stable_mosaic.version = 14 : i64} {
  func.func @seg_sum(%arg0: i32, %arg1: i32, %arg2: memref<10240x128xf32, #tpu.memory_space<hbm>>, %arg3: memref<320000xi32, #tpu.memory_space<hbm>>, %arg4: memref<320000xi32, #tpu.memory_space<hbm>>, %arg5: memref<32x128xf32, #tpu.memory_space<hbm>>, %arg6: memref<20480x128xf32, #tpu.memory_space<hbm>>, %arg7: memref<10240x128xf32, #tpu.memory_space<vmem_shared>>, %arg8: memref<80xi32, #tpu.memory_space<vmem>>, %arg9: memref<80xi32, #tpu.memory_space<vmem>>, %arg10: memref<80x128xf32, #tpu.memory_space<vmem>>, %arg11: memref<32x128xf32, #tpu.memory_space<vmem>>) attributes {dimension_semantics = [#tpu.dimension_semantics<core_parallel>, #tpu.dimension_semantics<subcore_parallel>], iteration_bounds = array<i64: 2, 16>, scalar_prefetch = 0 : i64, scratch_operands = 5 : i64, tpu.core_type = #tpu.core_type<sc_vector_subcore>, window_params = [{transform_indices = #map}, {transform_indices = #map1}, {transform_indices = #map1}, {transform_indices = #map}, {transform_indices = #map}]} {
    %mul3A = arith.constant 16 : i32
    %mul3A_0 = arith.muli %arg0, %mul3A : i32
    %add3A = arith.addi %mul3A_0, %arg1 : i32
    %mul3A_1 = arith.constant 10000 : i32
    %mul3A_2 = arith.muli %add3A, %mul3A_1 : i32
    "tpu.region"() ({
      %run_scoped3A = tpu.sem_alloc : memref<!tpu.dma_semaphore, #tpu.memory_space<semaphore_mem>>
      tpu.enqueue_dma source(%arg5 : memref<32x128xf32, #tpu.memory_space<hbm>>) target(%arg11 : memref<32x128xf32, #tpu.memory_space<vmem>>) target_semaphore(%run_scoped3A : memref<!tpu.dma_semaphore, #tpu.memory_space<semaphore_mem>>)
      tpu.wait_dma2 semaphore(%run_scoped3A : memref<!tpu.dma_semaphore, #tpu.memory_space<semaphore_mem>>) src(%arg5 : memref<32x128xf32, #tpu.memory_space<hbm>>) dst(%arg11 : memref<32x128xf32, #tpu.memory_space<vmem>>)
      tpu.yield
    }) : () -> ()
    %scan3A = arith.constant 0 : i32
    %scan3A_3 = arith.constant 0 : i32
    %scan3A_4 = arith.constant 20 : i32
    %scan3A_5 = arith.addi %scan3A_3, %scan3A_4 : i32
    %scan3A_6 = arith.constant 1 : i32
    scf.for %scan3A_21 = %scan3A_3 to %scan3A_5 step %scan3A_6  : i32 {
      %mul3A_22 = arith.constant 20 : i32
      %mul3A_23 = arith.muli %arg1, %mul3A_22 : i32
      %add3A_24 = arith.addi %mul3A_23, %scan3A_21 : i32
      %mul3A_25 = arith.constant 32 : i32
      %mul3A_26 = arith.muli %add3A_24, %mul3A_25 : i32
      %multiple_of3A = tpu.assume_multiple %mul3A_26, 32 : i32
      "tpu.region"() ({
        %run_scoped3A = tpu.sem_alloc : memref<!tpu.dma_semaphore, #tpu.memory_space<semaphore_mem>>
        %dma_start3A = arith.constant 0 : i32
        %dma_start3A_27 = tpu.memref_slice %arg7[%multiple_of3A, %dma_start3A] : memref<10240x128xf32, #tpu.memory_space<vmem_shared>> -> memref<32x128xf32, #tpu.memory_space<vmem_shared>>
        %dma_start3A_28 = arith.constant 0 : i32
        %dma_start3A_29 = tpu.memref_slice %arg7[%multiple_of3A, %dma_start3A_28] : memref<10240x128xf32, #tpu.memory_space<vmem_shared>> -> memref<32x128xf32, #tpu.memory_space<vmem_shared>>
        tpu.enqueue_dma source(%arg11 : memref<32x128xf32, #tpu.memory_space<vmem>>) target(%dma_start3A_29 : memref<32x128xf32, #tpu.memory_space<vmem_shared>>) target_semaphore(%run_scoped3A : memref<!tpu.dma_semaphore, #tpu.memory_space<semaphore_mem>>)
        %dma_wait3A = arith.constant 0 : i32
        %dma_wait3A_30 = tpu.memref_slice %arg7[%multiple_of3A, %dma_wait3A] : memref<10240x128xf32, #tpu.memory_space<vmem_shared>> -> memref<32x128xf32, #tpu.memory_space<vmem_shared>>
        %dma_wait3A_31 = arith.constant 0 : i32
        %dma_wait3A_32 = tpu.memref_slice %arg7[%multiple_of3A, %dma_wait3A_31] : memref<10240x128xf32, #tpu.memory_space<vmem_shared>> -> memref<32x128xf32, #tpu.memory_space<vmem_shared>>
        tpu.wait_dma2 semaphore(%run_scoped3A : memref<!tpu.dma_semaphore, #tpu.memory_space<semaphore_mem>>) src(%arg11 : memref<32x128xf32, #tpu.memory_space<vmem>>) dst(%dma_wait3A_32 : memref<32x128xf32, #tpu.memory_space<vmem_shared>>)
        tpu.yield
      }) : () -> ()
    }
    %scan3A_7 = arith.constant 20 : i32
    %barrier3A = arith.constant 0 : index
    tpu.barrier barrier_id(%barrier3A)
    %scan3A_8 = arith.constant 0 : i32
    %scan3A_9 = arith.constant 0 : i32
    %scan3A_10 = arith.constant 125 : i32
    %scan3A_11 = arith.addi %scan3A_9, %scan3A_10 : i32
    %scan3A_12 = arith.constant 1 : i32
    scf.for %scan3A_21 = %scan3A_9 to %scan3A_11 step %scan3A_12  : i32 {
      %mul3A_22 = arith.constant 80 : i32
      %mul3A_23 = arith.muli %scan3A_21, %mul3A_22 : i32
      %add3A_24 = arith.addi %mul3A_2, %mul3A_23 : i32
      %multiple_of3A = tpu.assume_multiple %add3A_24, 80 : i32
      "tpu.region"() ({
        %run_scoped3A = tpu.sem_alloc : memref<!tpu.dma_semaphore, #tpu.memory_space<semaphore_mem>>
        %dma_start3A = tpu.memref_slice %arg3[%multiple_of3A] : memref<320000xi32, #tpu.memory_space<hbm>> -> memref<80xi32, #tpu.memory_space<hbm>>
        %dma_start3A_25 = tpu.memref_slice %arg3[%multiple_of3A] : memref<320000xi32, #tpu.memory_space<hbm>> -> memref<80xi32, #tpu.memory_space<hbm>>
        tpu.enqueue_dma source(%dma_start3A_25 : memref<80xi32, #tpu.memory_space<hbm>>) target(%arg8 : memref<80xi32, #tpu.memory_space<vmem>>) target_semaphore(%run_scoped3A : memref<!tpu.dma_semaphore, #tpu.memory_space<semaphore_mem>>)
        %dma_wait3A = tpu.memref_slice %arg3[%multiple_of3A] : memref<320000xi32, #tpu.memory_space<hbm>> -> memref<80xi32, #tpu.memory_space<hbm>>
        %dma_wait3A_26 = tpu.memref_slice %arg3[%multiple_of3A] : memref<320000xi32, #tpu.memory_space<hbm>> -> memref<80xi32, #tpu.memory_space<hbm>>
        tpu.wait_dma2 semaphore(%run_scoped3A : memref<!tpu.dma_semaphore, #tpu.memory_space<semaphore_mem>>) src(%dma_wait3A_26 : memref<80xi32, #tpu.memory_space<hbm>>) dst(%arg8 : memref<80xi32, #tpu.memory_space<vmem>>)
        tpu.yield
      }) : () -> ()
      "tpu.region"() ({
        %run_scoped3A = tpu.sem_alloc : memref<!tpu.dma_semaphore, #tpu.memory_space<semaphore_mem>>
        %dma_start3A = tpu.memref_slice %arg4[%multiple_of3A] : memref<320000xi32, #tpu.memory_space<hbm>> -> memref<80xi32, #tpu.memory_space<hbm>>
        %dma_start3A_25 = tpu.memref_slice %arg4[%multiple_of3A] : memref<320000xi32, #tpu.memory_space<hbm>> -> memref<80xi32, #tpu.memory_space<hbm>>
        tpu.enqueue_dma source(%dma_start3A_25 : memref<80xi32, #tpu.memory_space<hbm>>) target(%arg9 : memref<80xi32, #tpu.memory_space<vmem>>) target_semaphore(%run_scoped3A : memref<!tpu.dma_semaphore, #tpu.memory_space<semaphore_mem>>)
        %dma_wait3A = tpu.memref_slice %arg4[%multiple_of3A] : memref<320000xi32, #tpu.memory_space<hbm>> -> memref<80xi32, #tpu.memory_space<hbm>>
        %dma_wait3A_26 = tpu.memref_slice %arg4[%multiple_of3A] : memref<320000xi32, #tpu.memory_space<hbm>> -> memref<80xi32, #tpu.memory_space<hbm>>
        tpu.wait_dma2 semaphore(%run_scoped3A : memref<!tpu.dma_semaphore, #tpu.memory_space<semaphore_mem>>) src(%dma_wait3A_26 : memref<80xi32, #tpu.memory_space<hbm>>) dst(%arg9 : memref<80xi32, #tpu.memory_space<vmem>>)
        tpu.yield
      }) : () -> ()
      "tpu.region"() ({
        %run_scoped3A = tpu.sem_alloc : memref<!tpu.dma_semaphore, #tpu.memory_space<semaphore_mem>>
        %dma_start3A = arith.constant 0 : i32
        %dma_start3A_25 = arith.constant 0 : i32
        %dma_start3A_26 = tpu.memref_slice %arg2[%dma_start3A, %dma_start3A_25] : memref<10240x128xf32, #tpu.memory_space<hbm>> -> memref<10240x128xf32, #tpu.memory_space<hbm>>
        tpu.enqueue_indirect_dma source(%dma_start3A_26 : memref<10240x128xf32, #tpu.memory_space<hbm>>) target(%arg10 : memref<80x128xf32, #tpu.memory_space<vmem>>) offsets(%arg8 : memref<80xi32, #tpu.memory_space<vmem>>) semaphore(%run_scoped3A : memref<!tpu.dma_semaphore, #tpu.memory_space<semaphore_mem>>)
        %dma_wait3A = arith.constant 0 : i32
        %dma_wait3A_27 = arith.constant 0 : i32
        %dma_wait3A_28 = tpu.memref_slice %arg2[%dma_wait3A, %dma_wait3A_27] : memref<10240x128xf32, #tpu.memory_space<hbm>> -> memref<10240x128xf32, #tpu.memory_space<hbm>>
        tpu.wait_indirect_dma semaphore(%run_scoped3A : memref<!tpu.dma_semaphore, #tpu.memory_space<semaphore_mem>>) src(%dma_wait3A_28 : memref<10240x128xf32, #tpu.memory_space<hbm>>) dst(%arg10 : memref<80x128xf32, #tpu.memory_space<vmem>>)
        tpu.yield
      }) : () -> ()
      "tpu.region"() ({
        %run_scoped3A = tpu.sem_alloc : memref<!tpu.dma_semaphore, #tpu.memory_space<semaphore_mem>>
        %dma_start3A = arith.constant 0 : i32
        %dma_start3A_25 = arith.constant 0 : i32
        %dma_start3A_26 = tpu.memref_slice %arg7[%dma_start3A, %dma_start3A_25] : memref<10240x128xf32, #tpu.memory_space<vmem_shared>> -> memref<10240x128xf32, #tpu.memory_space<vmem_shared>>
        tpu.enqueue_indirect_dma source(%arg10 : memref<80x128xf32, #tpu.memory_space<vmem>>) target(%dma_start3A_26 : memref<10240x128xf32, #tpu.memory_space<vmem_shared>>) offsets(%arg9 : memref<80xi32, #tpu.memory_space<vmem>>) semaphore(%run_scoped3A : memref<!tpu.dma_semaphore, #tpu.memory_space<semaphore_mem>>) {add = true}
        %dma_wait3A = arith.constant 0 : i32
        %dma_wait3A_27 = arith.constant 0 : i32
        %dma_wait3A_28 = tpu.memref_slice %arg7[%dma_wait3A, %dma_wait3A_27] : memref<10240x128xf32, #tpu.memory_space<vmem_shared>> -> memref<10240x128xf32, #tpu.memory_space<vmem_shared>>
        tpu.wait_indirect_dma semaphore(%run_scoped3A : memref<!tpu.dma_semaphore, #tpu.memory_space<semaphore_mem>>) src(%arg10 : memref<80x128xf32, #tpu.memory_space<vmem>>) dst(%dma_wait3A_28 : memref<10240x128xf32, #tpu.memory_space<vmem_shared>>)
        tpu.yield
      }) : () -> ()
    }
    %scan3A_13 = arith.constant 125 : i32
    %barrier3A_14 = arith.constant 0 : index
    tpu.barrier barrier_id(%barrier3A_14)
    %scan3A_15 = arith.constant 0 : i32
    %scan3A_16 = arith.constant 0 : i32
    %scan3A_17 = arith.constant 20 : i32
    %scan3A_18 = arith.addi %scan3A_16, %scan3A_17 : i32
    %scan3A_19 = arith.constant 1 : i32
    scf.for %scan3A_21 = %scan3A_16 to %scan3A_18 step %scan3A_19  : i32 {
      %mul3A_22 = arith.constant 20 : i32
      %mul3A_23 = arith.muli %arg1, %mul3A_22 : i32
      %add3A_24 = arith.addi %mul3A_23, %scan3A_21 : i32
      %mul3A_25 = arith.constant 32 : i32
      %mul3A_26 = arith.muli %add3A_24, %mul3A_25 : i32
      %multiple_of3A = tpu.assume_multiple %mul3A_26, 32 : i32
      %mul3A_27 = arith.constant 10240 : i32
      %mul3A_28 = arith.muli %arg0, %mul3A_27 : i32
      %add3A_29 = arith.addi %mul3A_28, %multiple_of3A : i32
      %multiple_of3A_30 = tpu.assume_multiple %add3A_29, 32 : i32
      "tpu.region"() ({
        %run_scoped3A = tpu.sem_alloc : memref<!tpu.dma_semaphore, #tpu.memory_space<semaphore_mem>>
        %dma_start3A = arith.constant 0 : i32
        %dma_start3A_31 = tpu.memref_slice %arg7[%multiple_of3A, %dma_start3A] : memref<10240x128xf32, #tpu.memory_space<vmem_shared>> -> memref<32x128xf32, #tpu.memory_space<vmem_shared>>
        %dma_start3A_32 = arith.constant 0 : i32
        %dma_start3A_33 = tpu.memref_slice %arg7[%multiple_of3A, %dma_start3A_32] : memref<10240x128xf32, #tpu.memory_space<vmem_shared>> -> memref<32x128xf32, #tpu.memory_space<vmem_shared>>
        tpu.enqueue_dma source(%dma_start3A_33 : memref<32x128xf32, #tpu.memory_space<vmem_shared>>) target(%arg11 : memref<32x128xf32, #tpu.memory_space<vmem>>) target_semaphore(%run_scoped3A : memref<!tpu.dma_semaphore, #tpu.memory_space<semaphore_mem>>)
        %dma_wait3A = arith.constant 0 : i32
        %dma_wait3A_34 = tpu.memref_slice %arg7[%multiple_of3A, %dma_wait3A] : memref<10240x128xf32, #tpu.memory_space<vmem_shared>> -> memref<32x128xf32, #tpu.memory_space<vmem_shared>>
        %dma_wait3A_35 = arith.constant 0 : i32
        %dma_wait3A_36 = tpu.memref_slice %arg7[%multiple_of3A, %dma_wait3A_35] : memref<10240x128xf32, #tpu.memory_space<vmem_shared>> -> memref<32x128xf32, #tpu.memory_space<vmem_shared>>
        tpu.wait_dma2 semaphore(%run_scoped3A : memref<!tpu.dma_semaphore, #tpu.memory_space<semaphore_mem>>) src(%dma_wait3A_36 : memref<32x128xf32, #tpu.memory_space<vmem_shared>>) dst(%arg11 : memref<32x128xf32, #tpu.memory_space<vmem>>)
        tpu.yield
      }) : () -> ()
      "tpu.region"() ({
        %run_scoped3A = tpu.sem_alloc : memref<!tpu.dma_semaphore, #tpu.memory_space<semaphore_mem>>
        %dma_start3A = arith.constant 0 : i32
        %dma_start3A_31 = tpu.memref_slice %arg6[%multiple_of3A_30, %dma_start3A] : memref<20480x128xf32, #tpu.memory_space<hbm>> -> memref<32x128xf32, #tpu.memory_space<hbm>>
        %dma_start3A_32 = arith.constant 0 : i32
        %dma_start3A_33 = tpu.memref_slice %arg6[%multiple_of3A_30, %dma_start3A_32] : memref<20480x128xf32, #tpu.memory_space<hbm>> -> memref<32x128xf32, #tpu.memory_space<hbm>>
        tpu.enqueue_dma source(%arg11 : memref<32x128xf32, #tpu.memory_space<vmem>>) target(%dma_start3A_33 : memref<32x128xf32, #tpu.memory_space<hbm>>) target_semaphore(%run_scoped3A : memref<!tpu.dma_semaphore, #tpu.memory_space<semaphore_mem>>)
        %dma_wait3A = arith.constant 0 : i32
        %dma_wait3A_34 = tpu.memref_slice %arg6[%multiple_of3A_30, %dma_wait3A] : memref<20480x128xf32, #tpu.memory_space<hbm>> -> memref<32x128xf32, #tpu.memory_space<hbm>>
        %dma_wait3A_35 = arith.constant 0 : i32
        %dma_wait3A_36 = tpu.memref_slice %arg6[%multiple_of3A_30, %dma_wait3A_35] : memref<20480x128xf32, #tpu.memory_space<hbm>> -> memref<32x128xf32, #tpu.memory_space<hbm>>
        tpu.wait_dma2 semaphore(%run_scoped3A : memref<!tpu.dma_semaphore, #tpu.memory_space<semaphore_mem>>) src(%arg11 : memref<32x128xf32, #tpu.memory_space<vmem>>) dst(%dma_wait3A_36 : memref<32x128xf32, #tpu.memory_space<hbm>>)
        tpu.yield
      }) : () -> ()
    }
    %scan3A_20 = arith.constant 20 : i32
    return
  }
}

#map = affine_map<(d0, d1) -> (0, 0)>
#map1 = affine_map<(d0, d1) -> (0)>
module attributes {stable_mosaic.version = 14 : i64} {
  func.func @seg_sum(%arg0: i32, %arg1: i32, %arg2: memref<10240x128xf32, #tpu.memory_space<hbm>>, %arg3: memref<320000xi32, #tpu.memory_space<hbm>>, %arg4: memref<320000xi32, #tpu.memory_space<hbm>>, %arg5: memref<32x128xf32, #tpu.memory_space<hbm>>, %arg6: memref<20480x128xf32, #tpu.memory_space<hbm>>, %arg7: memref<10240x128xf32, #tpu.memory_space<vmem_shared>>, %arg8: memref<80xi32, #tpu.memory_space<vmem>>, %arg9: memref<80xi32, #tpu.memory_space<vmem>>, %arg10: memref<80x128xf32, #tpu.memory_space<vmem>>, %arg11: memref<32x128xf32, #tpu.memory_space<vmem>>) attributes {dimension_semantics = [#tpu.dimension_semantics<core_parallel>, #tpu.dimension_semantics<subcore_parallel>], iteration_bounds = array<i64: 2, 16>, scalar_prefetch = 0 : i64, scratch_operands = 5 : i64, tpu.core_type = #tpu.core_type<sc_vector_subcore>, window_params = [{transform_indices = #map}, {transform_indices = #map1}, {transform_indices = #map1}, {transform_indices = #map}, {transform_indices = #map}]} {
    %mul3A = arith.constant 16 : i32
    %mul3A_0 = arith.muli %arg0, %mul3A : i32
    %add3A = arith.addi %mul3A_0, %arg1 : i32
    %mul3A_1 = arith.constant 10000 : i32
    %mul3A_2 = arith.muli %add3A, %mul3A_1 : i32
    "tpu.region"() ({
      %run_scoped3A = tpu.sem_alloc : memref<!tpu.dma_semaphore, #tpu.memory_space<semaphore_mem>>
      tpu.enqueue_dma source(%arg5 : memref<32x128xf32, #tpu.memory_space<hbm>>) target(%arg11 : memref<32x128xf32, #tpu.memory_space<vmem>>) target_semaphore(%run_scoped3A : memref<!tpu.dma_semaphore, #tpu.memory_space<semaphore_mem>>)
      tpu.wait_dma2 semaphore(%run_scoped3A : memref<!tpu.dma_semaphore, #tpu.memory_space<semaphore_mem>>) src(%arg5 : memref<32x128xf32, #tpu.memory_space<hbm>>) dst(%arg11 : memref<32x128xf32, #tpu.memory_space<vmem>>)
      tpu.yield
    }) : () -> ()
    %scan3A = arith.constant 0 : i32
    %scan3A_3 = arith.constant 0 : i32
    %scan3A_4 = arith.constant 20 : i32
    %scan3A_5 = arith.addi %scan3A_3, %scan3A_4 : i32
    %scan3A_6 = arith.constant 1 : i32
    scf.for %scan3A_21 = %scan3A_3 to %scan3A_5 step %scan3A_6  : i32 {
      %mul3A_22 = arith.constant 20 : i32
      %mul3A_23 = arith.muli %arg1, %mul3A_22 : i32
      %add3A_24 = arith.addi %mul3A_23, %scan3A_21 : i32
      %mul3A_25 = arith.constant 32 : i32
      %mul3A_26 = arith.muli %add3A_24, %mul3A_25 : i32
      %multiple_of3A = tpu.assume_multiple %mul3A_26, 32 : i32
      "tpu.region"() ({
        %run_scoped3A = tpu.sem_alloc : memref<!tpu.dma_semaphore, #tpu.memory_space<semaphore_mem>>
        %dma_start3A = arith.constant 0 : i32
        %dma_start3A_27 = tpu.memref_slice %arg7[%multiple_of3A, %dma_start3A] : memref<10240x128xf32, #tpu.memory_space<vmem_shared>> -> memref<32x128xf32, #tpu.memory_space<vmem_shared>>
        %dma_start3A_28 = arith.constant 0 : i32
        %dma_start3A_29 = tpu.memref_slice %arg7[%multiple_of3A, %dma_start3A_28] : memref<10240x128xf32, #tpu.memory_space<vmem_shared>> -> memref<32x128xf32, #tpu.memory_space<vmem_shared>>
        tpu.enqueue_dma source(%arg11 : memref<32x128xf32, #tpu.memory_space<vmem>>) target(%dma_start3A_29 : memref<32x128xf32, #tpu.memory_space<vmem_shared>>) target_semaphore(%run_scoped3A : memref<!tpu.dma_semaphore, #tpu.memory_space<semaphore_mem>>)
        %dma_wait3A = arith.constant 0 : i32
        %dma_wait3A_30 = tpu.memref_slice %arg7[%multiple_of3A, %dma_wait3A] : memref<10240x128xf32, #tpu.memory_space<vmem_shared>> -> memref<32x128xf32, #tpu.memory_space<vmem_shared>>
        %dma_wait3A_31 = arith.constant 0 : i32
        %dma_wait3A_32 = tpu.memref_slice %arg7[%multiple_of3A, %dma_wait3A_31] : memref<10240x128xf32, #tpu.memory_space<vmem_shared>> -> memref<32x128xf32, #tpu.memory_space<vmem_shared>>
        tpu.wait_dma2 semaphore(%run_scoped3A : memref<!tpu.dma_semaphore, #tpu.memory_space<semaphore_mem>>) src(%arg11 : memref<32x128xf32, #tpu.memory_space<vmem>>) dst(%dma_wait3A_32 : memref<32x128xf32, #tpu.memory_space<vmem_shared>>)
        tpu.yield
      }) : () -> ()
    }
    %scan3A_7 = arith.constant 20 : i32
    %barrier3A = arith.constant 0 : index
    tpu.barrier barrier_id(%barrier3A)
    %scan3A_8 = arith.constant 0 : i32
    %scan3A_9 = arith.constant 0 : i32
    %scan3A_10 = arith.constant 125 : i32
    %scan3A_11 = arith.addi %scan3A_9, %scan3A_10 : i32
    %scan3A_12 = arith.constant 1 : i32
    scf.for %scan3A_21 = %scan3A_9 to %scan3A_11 step %scan3A_12  : i32 {
      %mul3A_22 = arith.constant 80 : i32
      %mul3A_23 = arith.muli %scan3A_21, %mul3A_22 : i32
      %add3A_24 = arith.addi %mul3A_2, %mul3A_23 : i32
      %multiple_of3A = tpu.assume_multiple %add3A_24, 80 : i32
      "tpu.region"() ({
        %run_scoped3A = tpu.sem_alloc : memref<!tpu.dma_semaphore, #tpu.memory_space<semaphore_mem>>
        %dma_start3A = tpu.memref_slice %arg3[%multiple_of3A] : memref<320000xi32, #tpu.memory_space<hbm>> -> memref<80xi32, #tpu.memory_space<hbm>>
        %dma_start3A_25 = tpu.memref_slice %arg3[%multiple_of3A] : memref<320000xi32, #tpu.memory_space<hbm>> -> memref<80xi32, #tpu.memory_space<hbm>>
        tpu.enqueue_dma source(%dma_start3A_25 : memref<80xi32, #tpu.memory_space<hbm>>) target(%arg8 : memref<80xi32, #tpu.memory_space<vmem>>) target_semaphore(%run_scoped3A : memref<!tpu.dma_semaphore, #tpu.memory_space<semaphore_mem>>)
        %dma_wait3A = tpu.memref_slice %arg3[%multiple_of3A] : memref<320000xi32, #tpu.memory_space<hbm>> -> memref<80xi32, #tpu.memory_space<hbm>>
        %dma_wait3A_26 = tpu.memref_slice %arg3[%multiple_of3A] : memref<320000xi32, #tpu.memory_space<hbm>> -> memref<80xi32, #tpu.memory_space<hbm>>
        tpu.wait_dma2 semaphore(%run_scoped3A : memref<!tpu.dma_semaphore, #tpu.memory_space<semaphore_mem>>) src(%dma_wait3A_26 : memref<80xi32, #tpu.memory_space<hbm>>) dst(%arg8 : memref<80xi32, #tpu.memory_space<vmem>>)
        tpu.yield
      }) : () -> ()
      "tpu.region"() ({
        %run_scoped3A = tpu.sem_alloc : memref<!tpu.dma_semaphore, #tpu.memory_space<semaphore_mem>>
        %dma_start3A = tpu.memref_slice %arg4[%multiple_of3A] : memref<320000xi32, #tpu.memory_space<hbm>> -> memref<80xi32, #tpu.memory_space<hbm>>
        %dma_start3A_25 = tpu.memref_slice %arg4[%multiple_of3A] : memref<320000xi32, #tpu.memory_space<hbm>> -> memref<80xi32, #tpu.memory_space<hbm>>
        tpu.enqueue_dma source(%dma_start3A_25 : memref<80xi32, #tpu.memory_space<hbm>>) target(%arg9 : memref<80xi32, #tpu.memory_space<vmem>>) target_semaphore(%run_scoped3A : memref<!tpu.dma_semaphore, #tpu.memory_space<semaphore_mem>>)
        %dma_wait3A = tpu.memref_slice %arg4[%multiple_of3A] : memref<320000xi32, #tpu.memory_space<hbm>> -> memref<80xi32, #tpu.memory_space<hbm>>
        %dma_wait3A_26 = tpu.memref_slice %arg4[%multiple_of3A] : memref<320000xi32, #tpu.memory_space<hbm>> -> memref<80xi32, #tpu.memory_space<hbm>>
        tpu.wait_dma2 semaphore(%run_scoped3A : memref<!tpu.dma_semaphore, #tpu.memory_space<semaphore_mem>>) src(%dma_wait3A_26 : memref<80xi32, #tpu.memory_space<hbm>>) dst(%arg9 : memref<80xi32, #tpu.memory_space<vmem>>)
        tpu.yield
      }) : () -> ()
      "tpu.region"() ({
        %run_scoped3A = tpu.sem_alloc : memref<!tpu.dma_semaphore, #tpu.memory_space<semaphore_mem>>
        %dma_start3A = arith.constant 0 : i32
        %dma_start3A_25 = arith.constant 0 : i32
        %dma_start3A_26 = tpu.memref_slice %arg2[%dma_start3A, %dma_start3A_25] : memref<10240x128xf32, #tpu.memory_space<hbm>> -> memref<10240x128xf32, #tpu.memory_space<hbm>>
        tpu.enqueue_indirect_dma source(%dma_start3A_26 : memref<10240x128xf32, #tpu.memory_space<hbm>>) target(%arg10 : memref<80x128xf32, #tpu.memory_space<vmem>>) offsets(%arg8 : memref<80xi32, #tpu.memory_space<vmem>>) semaphore(%run_scoped3A : memref<!tpu.dma_semaphore, #tpu.memory_space<semaphore_mem>>)
        %dma_wait3A = arith.constant 0 : i32
        %dma_wait3A_27 = arith.constant 0 : i32
        %dma_wait3A_28 = tpu.memref_slice %arg2[%dma_wait3A, %dma_wait3A_27] : memref<10240x128xf32, #tpu.memory_space<hbm>> -> memref<10240x128xf32, #tpu.memory_space<hbm>>
        tpu.wait_indirect_dma semaphore(%run_scoped3A : memref<!tpu.dma_semaphore, #tpu.memory_space<semaphore_mem>>) src(%dma_wait3A_28 : memref<10240x128xf32, #tpu.memory_space<hbm>>) dst(%arg10 : memref<80x128xf32, #tpu.memory_space<vmem>>)
        tpu.yield
      }) : () -> ()
      "tpu.region"() ({
        %run_scoped3A = tpu.sem_alloc : memref<!tpu.dma_semaphore, #tpu.memory_space<semaphore_mem>>
        %dma_start3A = arith.constant 0 : i32
        %dma_start3A_25 = arith.constant 0 : i32
        %dma_start3A_26 = tpu.memref_slice %arg7[%dma_start3A, %dma_start3A_25] : memref<10240x128xf32, #tpu.memory_space<vmem_shared>> -> memref<10240x128xf32, #tpu.memory_space<vmem_shared>>
        tpu.enqueue_indirect_dma source(%arg10 : memref<80x128xf32, #tpu.memory_space<vmem>>) target(%dma_start3A_26 : memref<10240x128xf32, #tpu.memory_space<vmem_shared>>) offsets(%arg9 : memref<80xi32, #tpu.memory_space<vmem>>) semaphore(%run_scoped3A : memref<!tpu.dma_semaphore, #tpu.memory_space<semaphore_mem>>) {add = true}
        %dma_wait3A = arith.constant 0 : i32
        %dma_wait3A_27 = arith.constant 0 : i32
        %dma_wait3A_28 = tpu.memref_slice %arg7[%dma_wait3A, %dma_wait3A_27] : memref<10240x128xf32, #tpu.memory_space<vmem_shared>> -> memref<10240x128xf32, #tpu.memory_space<vmem_shared>>
        tpu.wait_indirect_dma semaphore(%run_scoped3A : memref<!tpu.dma_semaphore, #tpu.memory_space<semaphore_mem>>) src(%arg10 : memref<80x128xf32, #tpu.memory_space<vmem>>) dst(%dma_wait3A_28 : memref<10240x128xf32, #tpu.memory_space<vmem_shared>>)
        tpu.yield
      }) : () -> ()
    }
    %scan3A_13 = arith.constant 125 : i32
    %barrier3A_14 = arith.constant 0 : index
    tpu.barrier barrier_id(%barrier3A_14)
    %scan3A_15 = arith.constant 0 : i32
    %scan3A_16 = arith.constant 0 : i32
    %scan3A_17 = arith.constant 20 : i32
    %scan3A_18 = arith.addi %scan3A_16, %scan3A_17 : i32
    %scan3A_19 = arith.constant 1 : i32
    scf.for %scan3A_21 = %scan3A_16 to %scan3A_18 step %scan3A_19  : i32 {
      %mul3A_22 = arith.constant 20 : i32
      %mul3A_23 = arith.muli %arg1, %mul3A_22 : i32
      %add3A_24 = arith.addi %mul3A_23, %scan3A_21 : i32
      %mul3A_25 = arith.constant 32 : i32
      %mul3A_26 = arith.muli %add3A_24, %mul3A_25 : i32
      %multiple_of3A = tpu.assume_multiple %mul3A_26, 32 : i32
      %mul3A_27 = arith.constant 10240 : i32
      %mul3A_28 = arith.muli %arg0, %mul3A_27 : i32
      %add3A_29 = arith.addi %mul3A_28, %multiple_of3A : i32
      %multiple_of3A_30 = tpu.assume_multiple %add3A_29, 32 : i32
      "tpu.region"() ({
        %run_scoped3A = tpu.sem_alloc : memref<!tpu.dma_semaphore, #tpu.memory_space<semaphore_mem>>
        %dma_start3A = arith.constant 0 : i32
        %dma_start3A_31 = tpu.memref_slice %arg7[%multiple_of3A, %dma_start3A] : memref<10240x128xf32, #tpu.memory_space<vmem_shared>> -> memref<32x128xf32, #tpu.memory_space<vmem_shared>>
        %dma_start3A_32 = arith.constant 0 : i32
        %dma_start3A_33 = tpu.memref_slice %arg7[%multiple_of3A, %dma_start3A_32] : memref<10240x128xf32, #tpu.memory_space<vmem_shared>> -> memref<32x128xf32, #tpu.memory_space<vmem_shared>>
        tpu.enqueue_dma source(%dma_start3A_33 : memref<32x128xf32, #tpu.memory_space<vmem_shared>>) target(%arg11 : memref<32x128xf32, #tpu.memory_space<vmem>>) target_semaphore(%run_scoped3A : memref<!tpu.dma_semaphore, #tpu.memory_space<semaphore_mem>>)
        %dma_wait3A = arith.constant 0 : i32
        %dma_wait3A_34 = tpu.memref_slice %arg7[%multiple_of3A, %dma_wait3A] : memref<10240x128xf32, #tpu.memory_space<vmem_shared>> -> memref<32x128xf32, #tpu.memory_space<vmem_shared>>
        %dma_wait3A_35 = arith.constant 0 : i32
        %dma_wait3A_36 = tpu.memref_slice %arg7[%multiple_of3A, %dma_wait3A_35] : memref<10240x128xf32, #tpu.memory_space<vmem_shared>> -> memref<32x128xf32, #tpu.memory_space<vmem_shared>>
        tpu.wait_dma2 semaphore(%run_scoped3A : memref<!tpu.dma_semaphore, #tpu.memory_space<semaphore_mem>>) src(%dma_wait3A_36 : memref<32x128xf32, #tpu.memory_space<vmem_shared>>) dst(%arg11 : memref<32x128xf32, #tpu.memory_space<vmem>>)
        tpu.yield
      }) : () -> ()
      "tpu.region"() ({
        %run_scoped3A = tpu.sem_alloc : memref<!tpu.dma_semaphore, #tpu.memory_space<semaphore_mem>>
        %dma_start3A = arith.constant 0 : i32
        %dma_start3A_31 = tpu.memref_slice %arg6[%multiple_of3A_30, %dma_start3A] : memref<20480x128xf32, #tpu.memory_space<hbm>> -> memref<32x128xf32, #tpu.memory_space<hbm>>
        %dma_start3A_32 = arith.constant 0 : i32
        %dma_start3A_33 = tpu.memref_slice %arg6[%multiple_of3A_30, %dma_start3A_32] : memref<20480x128xf32, #tpu.memory_space<hbm>> -> memref<32x128xf32, #tpu.memory_space<hbm>>
        tpu.enqueue_dma source(%arg11 : memref<32x128xf32, #tpu.memory_space<vmem>>) target(%dma_start3A_33 : memref<32x128xf32, #tpu.memory_space<hbm>>) target_semaphore(%run_scoped3A : memref<!tpu.dma_semaphore, #tpu.memory_space<semaphore_mem>>)
        %dma_wait3A = arith.constant 0 : i32
        %dma_wait3A_34 = tpu.memref_slice %arg6[%multiple_of3A_30, %dma_wait3A] : memref<20480x128xf32, #tpu.memory_space<hbm>> -> memref<32x128xf32, #tpu.memory_space<hbm>>
        %dma_wait3A_35 = arith.constant 0 : i32
        %dma_wait3A_36 = tpu.memref_slice %arg6[%multiple_of3A_30, %dma_wait3A_35] : memref<20480x128xf32, #tpu.memory_space<hbm>> -> memref<32x128xf32, #tpu.memory_space<hbm>>
        tpu.wait_dma2 semaphore(%run_scoped3A : memref<!tpu.dma_semaphore, #tpu.memory_space<semaphore_mem>>) src(%arg11 : memref<32x128xf32, #tpu.memory_space<vmem>>) dst(%dma_wait3A_36 : memref<32x128xf32, #tpu.memory_space<hbm>>)
        tpu.yield
      }) : () -> ()
    }
    %scan3A_20 = arith.constant 20 : i32
    return
  }
}

module attributes {stable_mosaic.version = 14 : i64} {
  func.func @_pre_body(%arg0: i32, %arg1: memref<1024x128xf32, #tpu.memory_space<vmem>>, %arg2: memref<128x128xf32, #tpu.memory_space<vmem>>, %arg3: memref<128x128xf32, #tpu.memory_space<vmem>>, %arg4: memref<1x128xf32, #tpu.memory_space<vmem>>, %arg5: memref<1024x128xf32, #tpu.memory_space<vmem>>, %arg6: memref<1024x128xf32, #tpu.memory_space<vmem>>) attributes {dimension_semantics = [#tpu.dimension_semantics<arbitrary>], iteration_bounds = array<i64: 10>, scalar_prefetch = 0 : i64, scratch_operands = 0 : i64, tpu.core_type = #tpu.core_type<tc>, window_params = [{transform_indices = @transform_0, window_bounds = array<i64: 1024, 128>}, {pipeline_mode = #tpu.pipeline_mode<synchronous>, transform_indices = @transform_1, window_bounds = array<i64: 128, 128>}, {pipeline_mode = #tpu.pipeline_mode<synchronous>, transform_indices = @transform_2, window_bounds = array<i64: 128, 128>}, {pipeline_mode = #tpu.pipeline_mode<synchronous>, transform_indices = @transform_3, window_bounds = array<i64: 1, 128>}, {transform_indices = @transform_4, window_bounds = array<i64: 1024, 128>}, {transform_indices = @transform_5, window_bounds = array<i64: 1024, 128>}]} {
    %get3A = arith.constant 0 : index
    %get3A_0 = arith.constant 0 : index
    %get3A_1 = vector.load %arg1[%get3A, %get3A_0] : memref<1024x128xf32, #tpu.memory_space<vmem>>, vector<1024x128xf32>
    %get3A_2 = arith.constant 0 : index
    %get3A_3 = arith.constant 0 : index
    %get3A_4 = vector.load %arg2[%get3A_2, %get3A_3] : memref<128x128xf32, #tpu.memory_space<vmem>>, vector<128x128xf32>
    %dot_general3A = arith.constant dense<0.000000e+00> : vector<1024x128xf32>
    %dot_general3A_5 = tpu.matmul %get3A_1, %get3A_4, %dot_general3A {dimension_numbers = #tpu.dot_dimension_numbers<[1], [0], [0], [1], [0, 0, 1, 1], [], []>, transpose_lhs_hint = false} : vector<1024x128xf32>, vector<128x128xf32>, vector<1024x128xf32> -> vector<1024x128xf32>
    %swap3A = arith.constant 0 : index
    %swap3A_6 = arith.constant 0 : index
    %swap3A_7 = vector.load %arg5[%swap3A, %swap3A_6] : memref<1024x128xf32, #tpu.memory_space<vmem>>, vector<1024x128xf32>
    tpu.vector_store %arg5[%swap3A, %swap3A_6], %dot_general3A_5 {strides = array<i32>} : memref<1024x128xf32, #tpu.memory_space<vmem>>, vector<1024x128xf32>,
    %get3A_8 = arith.constant 0 : index
    %get3A_9 = arith.constant 0 : index
    %get3A_10 = vector.load %arg3[%get3A_8, %get3A_9] : memref<128x128xf32, #tpu.memory_space<vmem>>, vector<128x128xf32>
    %dot_general3A_11 = arith.constant dense<0.000000e+00> : vector<1024x128xf32>
    %dot_general3A_12 = tpu.matmul %get3A_1, %get3A_10, %dot_general3A_11 {dimension_numbers = #tpu.dot_dimension_numbers<[1], [0], [0], [1], [0, 0, 1, 1], [], []>, transpose_lhs_hint = false} : vector<1024x128xf32>, vector<128x128xf32>, vector<1024x128xf32> -> vector<1024x128xf32>
    %get3A_13 = arith.constant 0 : index
    %get3A_14 = arith.constant 0 : index
    %get3A_15 = vector.load %arg4[%get3A_13, %get3A_14] : memref<1x128xf32, #tpu.memory_space<vmem>>, vector<1x128xf32>
    %add3A = vector.broadcast %get3A_15 : vector<1x128xf32> to vector<1024x128xf32>
    %add3A_16 = arith.addf %dot_general3A_12, %add3A : vector<1024x128xf32>
    %swap3A_17 = arith.constant 0 : index
    %swap3A_18 = arith.constant 0 : index
    %swap3A_19 = vector.load %arg6[%swap3A_17, %swap3A_18] : memref<1024x128xf32, #tpu.memory_space<vmem>>, vector<1024x128xf32>
    tpu.vector_store %arg6[%swap3A_17, %swap3A_18], %add3A_16 {strides = array<i32>} : memref<1024x128xf32, #tpu.memory_space<vmem>>, vector<1024x128xf32>,
    return
  }
  func.func @transform_0(%arg0: i32) -> (i32, i32) {
    %c0_i32 = arith.constant 0 : i32
    %c0_i32_0 = arith.constant 0 : i32
    return %arg0, %c0_i32 : i32, i32
  }
  func.func @transform_1(%arg0: i32) -> (i32, i32) {
    %c0_i32 = arith.constant 0 : i32
    %c0_i32_0 = arith.constant 0 : i32
    %c0_i32_1 = arith.constant 0 : i32
    return %c0_i32, %c0_i32_0 : i32, i32
  }
  func.func @transform_2(%arg0: i32) -> (i32, i32) {
    %c0_i32 = arith.constant 0 : i32
    %c0_i32_0 = arith.constant 0 : i32
    %c0_i32_1 = arith.constant 0 : i32
    return %c0_i32, %c0_i32_0 : i32, i32
  }
  func.func @transform_3(%arg0: i32) -> (i32, i32) {
    %c0_i32 = arith.constant 0 : i32
    %c0_i32_0 = arith.constant 0 : i32
    %c0_i32_1 = arith.constant 0 : i32
    return %c0_i32, %c0_i32_0 : i32, i32
  }
  func.func @transform_4(%arg0: i32) -> (i32, i32) {
    %c0_i32 = arith.constant 0 : i32
    %c0_i32_0 = arith.constant 0 : i32
    return %arg0, %c0_i32 : i32, i32
  }
  func.func @transform_5(%arg0: i32) -> (i32, i32) {
    %c0_i32 = arith.constant 0 : i32
    %c0_i32_0 = arith.constant 0 : i32
    return %arg0, %c0_i32 : i32, i32
  }
}

module attributes {stable_mosaic.version = 14 : i64} {
  func.func @_deghist_body(%arg0: i32, %arg1: i32, %arg2: memref<1x1x4000xi32, #tpu.memory_space<vmem>>, %arg3: memref<1x4000x1xi32, #tpu.memory_space<vmem>>, %arg4: memref<8x128xf32, #tpu.memory_space<vmem>>, %arg5: memref<4000x128xf32, #tpu.memory_space<vmem>>, %arg6: memref<80x128xf32, #tpu.memory_space<vmem>>) attributes {dimension_semantics = [#tpu.dimension_semantics<arbitrary>, #tpu.dimension_semantics<arbitrary>], iteration_bounds = array<i64: 80, 10>, scalar_prefetch = 0 : i64, scratch_operands = 2 : i64, tpu.core_type = #tpu.core_type<tc>, window_params = [{transform_indices = @transform_0, window_bounds = array<i64: 1, 1, 4000>}, {transform_indices = @transform_1, window_bounds = array<i64: 1, 4000, 1>}, {transform_indices = @transform_2, window_bounds = array<i64: 8, 128>}]} {
    %eq3A = arith.constant 0 : i32
    %eq3A_0 = arith.cmpi eq, %arg0, %eq3A : i32
    %eq3A_1 = arith.constant 0 : i32
    %eq3A_2 = arith.cmpi eq, %arg1, %eq3A_1 : i32
    %and3A = arith.andi %eq3A_0, %eq3A_2 : i1
    %convert_element_type3A = arith.extui %and3A : i1 to i32
    %cond3A = arith.constant 0 : i32
    %cond3A_3 = arith.cmpi ne, %convert_element_type3A, %cond3A : i32
    scf.if %cond3A_3 {
      %broadcast_in_dim3A = arith.constant 0.000000e+00 : f32
      %broadcast_in_dim3A_38 = vector.broadcast %broadcast_in_dim3A : f32 to vector<80x128xf32>
      %swap3A_39 = arith.constant 0 : index
      %swap3A_40 = arith.constant 0 : index
      %swap3A_41 = vector.load %arg6[%swap3A_39, %swap3A_40] : memref<80x128xf32, #tpu.memory_space<vmem>>, vector<80x128xf32>
      tpu.vector_store %arg6[%swap3A_39, %swap3A_40], %broadcast_in_dim3A_38 {strides = array<i32>} : memref<80x128xf32, #tpu.memory_space<vmem>>, vector<80x128xf32>,
    } else {
    }
    %eq3A_4 = arith.constant 0 : i32
    %eq3A_5 = arith.cmpi eq, %arg1, %eq3A_4 : i32
    %convert_element_type3A_6 = arith.extui %eq3A_5 : i1 to i32
    %cond3A_7 = arith.constant 0 : i32
    %cond3A_8 = arith.cmpi ne, %convert_element_type3A_6, %cond3A_7 : i32
    scf.if %cond3A_8 {
      %get3A_38 = arith.constant 0 : index
      %get3A_39 = arith.constant 0 : index
      %get3A_40 = arith.constant 0 : index
      %get3A_41 = vector.load %arg3[%get3A_38, %get3A_39, %get3A_40] : memref<1x4000x1xi32, #tpu.memory_space<vmem>>, vector<1x4000x1xi32>
      %get3A_42 = vector.shape_cast %get3A_41 : vector<1x4000x1xi32> to vector<4000x1xi32>
      %rem3A = arith.constant 128 : i32
      %rem3A_43 = vector.broadcast %rem3A : i32 to vector<4000x1xi32>
      %rem3A_44 = arith.remsi %get3A_42, %rem3A_43 : vector<4000x1xi32>
      %iota3A_45 = tpu.iota {dimensions = array<i32: 1>} : vector<4000x128xi32>
      %eq3A_46 = vector.broadcast %rem3A_44 : vector<4000x1xi32> to vector<4000x128xi32>
      %eq3A_47 = arith.cmpi eq, %eq3A_46, %iota3A_45 : vector<4000x128xi32>
      %convert_element_type3A_48 = arith.extui %eq3A_47 : vector<4000x128xi1> to vector<4000x128xi32>
      %convert_element_type3A_49 = arith.sitofp %convert_element_type3A_48 : vector<4000x128xi32> to vector<4000x128xf32>
      %swap3A_50 = arith.constant 0 : index
      %swap3A_51 = arith.constant 0 : index
      %swap3A_52 = vector.load %arg5[%swap3A_50, %swap3A_51] : memref<4000x128xf32, #tpu.memory_space<vmem>>, vector<4000x128xf32>
      tpu.vector_store %arg5[%swap3A_50, %swap3A_51], %convert_element_type3A_49 {strides = array<i32>} : memref<4000x128xf32, #tpu.memory_space<vmem>>, vector<4000x128xf32>,
    } else {
    }
    %get3A = arith.constant 0 : index
    %get3A_9 = arith.constant 0 : index
    %get3A_10 = arith.constant 0 : index
    %get3A_11 = vector.load %arg2[%get3A, %get3A_9, %get3A_10] : memref<1x1x4000xi32, #tpu.memory_space<vmem>>, vector<1x1x4000xi32>
    %get3A_12 = vector.shape_cast %get3A_11 : vector<1x1x4000xi32> to vector<1x4000xi32>
    %div3A = arith.constant 128 : i32
    %div3A_13 = vector.broadcast %div3A : i32 to vector<1x4000xi32>
    %div3A_14 = arith.divsi %get3A_12, %div3A_13 : vector<1x4000xi32>
    %mul3A = arith.constant 8 : i32
    %mul3A_15 = arith.muli %arg1, %mul3A : i32
    %iota3A = tpu.iota {dimensions = array<i32: 0>} : vector<8x4000xi32>
    %add3A = vector.broadcast %mul3A_15 : i32 to vector<8x4000xi32>
    %add3A_16 = arith.addi %add3A, %iota3A : vector<8x4000xi32>
    %eq3A_17 = vector.broadcast %div3A_14 : vector<1x4000xi32> to vector<8x4000xi32>
    %eq3A_18 = arith.cmpi eq, %eq3A_17, %add3A_16 : vector<8x4000xi32>
    %convert_element_type3A_19 = arith.extui %eq3A_18 : vector<8x4000xi1> to vector<8x4000xi32>
    %convert_element_type3A_20 = arith.sitofp %convert_element_type3A_19 : vector<8x4000xi32> to vector<8x4000xf32>
    %mul3A_21 = arith.constant 8 : i32
    %mul3A_22 = arith.muli %arg1, %mul3A_21 : i32
    %get3A_23 = arith.index_cast %mul3A_22 : i32 to index
    %get3A_24 = arith.constant 0 : index
    %get3A_25 = vector.load %arg6[%get3A_23, %get3A_24] : memref<80x128xf32, #tpu.memory_space<vmem>>, vector<8x128xf32>
    %get3A_26 = arith.constant 0 : index
    %get3A_27 = arith.constant 0 : index
    %get3A_28 = vector.load %arg5[%get3A_26, %get3A_27] : memref<4000x128xf32, #tpu.memory_space<vmem>>, vector<4000x128xf32>
    %dot_general3A = arith.constant dense<0.000000e+00> : vector<8x128xf32>
    %dot_general3A_29 = tpu.matmul %convert_element_type3A_20, %get3A_28, %dot_general3A {dimension_numbers = #tpu.dot_dimension_numbers<[1], [0], [0], [1], [0, 0, 1, 1], [], []>, transpose_lhs_hint = false} : vector<8x4000xf32>, vector<4000x128xf32>, vector<8x128xf32> -> vector<8x128xf32>
    %add3A_30 = arith.addf %get3A_25, %dot_general3A_29 : vector<8x128xf32>
    %swap3A = arith.index_cast %mul3A_22 : i32 to index
    %swap3A_31 = arith.constant 0 : index
    %swap3A_32 = vector.load %arg6[%swap3A, %swap3A_31] : memref<80x128xf32, #tpu.memory_space<vmem>>, vector<8x128xf32>
    tpu.vector_store %arg6[%swap3A, %swap3A_31], %add3A_30 {strides = array<i32>} : memref<80x128xf32, #tpu.memory_space<vmem>>, vector<8x128xf32>,
    %eq3A_33 = arith.constant 79 : i32
    %eq3A_34 = arith.cmpi eq, %arg0, %eq3A_33 : i32
    %convert_element_type3A_35 = arith.extui %eq3A_34 : i1 to i32
    %cond3A_36 = arith.constant 0 : i32
    %cond3A_37 = arith.cmpi ne, %convert_element_type3A_35, %cond3A_36 : i32
    scf.if %cond3A_37 {
      %get3A_38 = arith.index_cast %mul3A_22 : i32 to index
      %get3A_39 = arith.constant 0 : index
      %get3A_40 = vector.load %arg6[%get3A_38, %get3A_39] : memref<80x128xf32, #tpu.memory_space<vmem>>, vector<8x128xf32>
      %swap3A_41 = arith.constant 0 : index
      %swap3A_42 = arith.constant 0 : index
      %swap3A_43 = vector.load %arg4[%swap3A_41, %swap3A_42] : memref<8x128xf32, #tpu.memory_space<vmem>>, vector<8x128xf32>
      tpu.vector_store %arg4[%swap3A_41, %swap3A_42], %get3A_40 {strides = array<i32>} : memref<8x128xf32, #tpu.memory_space<vmem>>, vector<8x128xf32>,
    } else {
    }
    return
  }
  func.func @transform_0(%arg0: i32, %arg1: i32) -> (i32, i32, i32) {
    %c0_i32 = arith.constant 0 : i32
    %c0_i32_0 = arith.constant 0 : i32
    %c0_i32_1 = arith.constant 0 : i32
    return %arg0, %c0_i32, %c0_i32_0 : i32, i32, i32
  }
  func.func @transform_1(%arg0: i32, %arg1: i32) -> (i32, i32, i32) {
    %c0_i32 = arith.constant 0 : i32
    %c0_i32_0 = arith.constant 0 : i32
    %c0_i32_1 = arith.constant 0 : i32
    return %arg0, %c0_i32, %c0_i32_0 : i32, i32, i32
  }
  func.func @transform_2(%arg0: i32, %arg1: i32) -> (i32, i32) {
    %c0_i32 = arith.constant 0 : i32
    %c0_i32_0 = arith.constant 0 : i32
    return %arg1, %c0_i32 : i32, i32
  }
}

module attributes {stable_mosaic.version = 14 : i64} {
  func.func @_mid_body(%arg0: i32, %arg1: memref<1024x128xf32, #tpu.memory_space<vmem>>, %arg2: memref<1024x128xf32, #tpu.memory_space<vmem>>, %arg3: memref<8x128xf32, #tpu.memory_space<vmem>>, %arg4: memref<1024x128xf32, #tpu.memory_space<vmem>>, %arg5: memref<128x128xf32, #tpu.memory_space<vmem>>, %arg6: memref<128x128xf32, #tpu.memory_space<vmem>>, %arg7: memref<1x128xf32, #tpu.memory_space<vmem>>, %arg8: memref<1024x128xf32, #tpu.memory_space<vmem>>, %arg9: memref<1024x128xf32, #tpu.memory_space<vmem>>) attributes {dimension_semantics = [#tpu.dimension_semantics<arbitrary>], iteration_bounds = array<i64: 10>, scalar_prefetch = 0 : i64, scratch_operands = 0 : i64, tpu.core_type = #tpu.core_type<tc>, window_params = [{transform_indices = @transform_0, window_bounds = array<i64: 1024, 128>}, {transform_indices = @transform_1, window_bounds = array<i64: 1024, 128>}, {transform_indices = @transform_2, window_bounds = array<i64: 8, 128>}, {transform_indices = @transform_3, window_bounds = array<i64: 1024, 128>}, {pipeline_mode = #tpu.pipeline_mode<synchronous>, transform_indices = @transform_4, window_bounds = array<i64: 128, 128>}, {pipeline_mode = #tpu.pipeline_mode<synchronous>, transform_indices = @transform_5, window_bounds = array<i64: 128, 128>}, {pipeline_mode = #tpu.pipeline_mode<synchronous>, transform_indices = @transform_6, window_bounds = array<i64: 1, 128>}, {transform_indices = @transform_7, window_bounds = array<i64: 1024, 128>}, {transform_indices = @transform_8, window_bounds = array<i64: 1024, 128>}]} {
    %get3A = arith.constant 0 : index
    %get3A_0 = arith.constant 0 : index
    %get3A_1 = vector.load %arg3[%get3A, %get3A_0] : memref<8x128xf32, #tpu.memory_space<vmem>>, vector<8x128xf32>
    %max3A = arith.constant 1.000000e+00 : f32
    %max3A_2 = vector.broadcast %max3A : f32 to vector<8x128xf32>
    %max3A_3 = arith.maximumf %get3A_1, %max3A_2 : vector<8x128xf32>
    %div3A = arith.constant 1.000000e+00 : f32
    %div3A_4 = vector.broadcast %div3A : f32 to vector<8x128xf32>
    %div3A_5 = arith.divf %div3A_4, %max3A_3 : vector<8x128xf32>
    %iota3A = tpu.iota {dimensions = array<i32: 0>} : vector<1024x8xi32>
    %jit3A = arith.constant 128 : i32
    %div3A_6 = vector.broadcast %jit3A : i32 to vector<1024x8xi32>
    %div3A_7 = arith.divsi %iota3A, %div3A_6 : vector<1024x8xi32>
    %sign3A = arith.constant 0 : i32
    %sign3A_8 = vector.broadcast %sign3A : i32 to vector<1024x8xi32>
    %sign3A_9 = arith.cmpi sgt, %iota3A, %sign3A_8 : vector<1024x8xi32>
    %sign3A_10 = arith.extui %sign3A_9 : vector<1024x8xi1> to vector<1024x8xi32>
    %sign3A_11 = arith.constant 0 : i32
    %sign3A_12 = vector.broadcast %sign3A_11 : i32 to vector<1024x8xi32>
    %sign3A_13 = arith.cmpi slt, %iota3A, %sign3A_12 : vector<1024x8xi32>
    %sign3A_14 = arith.extui %sign3A_13 : vector<1024x8xi1> to vector<1024x8xi32>
    %sign3A_15 = arith.subi %sign3A_10, %sign3A_14 : vector<1024x8xi32>
    %sign3A_16 = arith.constant 0 : i32
    %sign3A_17 = arith.cmpi sgt, %jit3A, %sign3A_16 : i32
    %sign3A_18 = arith.extui %sign3A_17 : i1 to i32
    %sign3A_19 = arith.constant 0 : i32
    %sign3A_20 = arith.cmpi slt, %jit3A, %sign3A_19 : i32
    %sign3A_21 = arith.extui %sign3A_20 : i1 to i32
    %sign3A_22 = arith.subi %sign3A_18, %sign3A_21 : i32
    %ne3A = vector.broadcast %sign3A_22 : i32 to vector<1024x8xi32>
    %ne3A_23 = arith.cmpi ne, %sign3A_15, %ne3A : vector<1024x8xi32>
    %rem3A = vector.broadcast %jit3A : i32 to vector<1024x8xi32>
    %rem3A_24 = arith.remsi %iota3A, %rem3A : vector<1024x8xi32>
    %ne3A_25 = arith.constant 0 : i32
    %ne3A_26 = vector.broadcast %ne3A_25 : i32 to vector<1024x8xi32>
    %ne3A_27 = arith.cmpi ne, %rem3A_24, %ne3A_26 : vector<1024x8xi32>
    %and3A = arith.andi %ne3A_23, %ne3A_27 : vector<1024x8xi1>
    %sub3A = arith.constant 1 : i32
    %sub3A_28 = vector.broadcast %sub3A : i32 to vector<1024x8xi32>
    %sub3A_29 = arith.subi %div3A_7, %sub3A_28 : vector<1024x8xi32>
    %select_n3A = arith.select %and3A, %sub3A_29, %div3A_7 : vector<1024x8xi1>, vector<1024x8xi32>
    %iota3A_30 = tpu.iota {dimensions = array<i32: 1>} : vector<1024x8xi32>
    %eq3A = arith.cmpi eq, %select_n3A, %iota3A_30 : vector<1024x8xi32>
    %convert_element_type3A = arith.extui %eq3A : vector<1024x8xi1> to vector<1024x8xi32>
    %convert_element_type3A_31 = arith.sitofp %convert_element_type3A : vector<1024x8xi32> to vector<1024x8xf32>
    %iota3A_32 = tpu.iota {dimensions = array<i32: 0>} : vector<1024x128xi32>
    %rem3A_33 = arith.constant 128 : i32
    %rem3A_34 = vector.broadcast %rem3A_33 : i32 to vector<1024x128xi32>
    %rem3A_35 = arith.remsi %iota3A_32, %rem3A_34 : vector<1024x128xi32>
    %iota3A_36 = tpu.iota {dimensions = array<i32: 1>} : vector<1024x128xi32>
    %eq3A_37 = arith.cmpi eq, %rem3A_35, %iota3A_36 : vector<1024x128xi32>
    %convert_element_type3A_38 = arith.extui %eq3A_37 : vector<1024x128xi1> to vector<1024x128xi32>
    %convert_element_type3A_39 = arith.sitofp %convert_element_type3A_38 : vector<1024x128xi32> to vector<1024x128xf32>
    %dot_general3A = arith.constant dense<0.000000e+00> : vector<1024x128xf32>
    %dot_general3A_40 = tpu.matmul %convert_element_type3A_31, %div3A_5, %dot_general3A {dimension_numbers = #tpu.dot_dimension_numbers<[1], [0], [0], [1], [0, 0, 1, 1], [], []>, transpose_lhs_hint = false} : vector<1024x8xf32>, vector<8x128xf32>, vector<1024x128xf32> -> vector<1024x128xf32>
    %mul3A = arith.mulf %dot_general3A_40, %convert_element_type3A_39 : vector<1024x128xf32>
    %reduce_sum3A = arith.constant dense<0.000000e+00> : vector<1024xf32>
    %reduce_sum3A_41 = vector.multi_reduction <add>, %mul3A, %reduce_sum3A [1] : vector<1024x128xf32> to vector<1024xf32>
    %broadcast_in_dim3A = vector.shape_cast %reduce_sum3A_41 : vector<1024xf32> to vector<1024x1xf32>
    %get3A_42 = arith.constant 0 : index
    %get3A_43 = arith.constant 0 : index
    %get3A_44 = vector.load %arg1[%get3A_42, %get3A_43] : memref<1024x128xf32, #tpu.memory_space<vmem>>, vector<1024x128xf32>
    %get3A_45 = arith.constant 0 : index
    %get3A_46 = arith.constant 0 : index
    %get3A_47 = vector.load %arg2[%get3A_45, %get3A_46] : memref<1024x128xf32, #tpu.memory_space<vmem>>, vector<1024x128xf32>
    %add3A = arith.addf %get3A_44, %get3A_47 : vector<1024x128xf32>
    %mul3A_48 = vector.broadcast %broadcast_in_dim3A : vector<1024x1xf32> to vector<1024x128xf32>
    %mul3A_49 = arith.mulf %add3A, %mul3A_48 : vector<1024x128xf32>
    %get3A_50 = arith.constant 0 : index
    %get3A_51 = arith.constant 0 : index
    %get3A_52 = vector.load %arg4[%get3A_50, %get3A_51] : memref<1024x128xf32, #tpu.memory_space<vmem>>, vector<1024x128xf32>
    %add3A_53 = arith.addf %mul3A_49, %get3A_52 : vector<1024x128xf32>
    %max3A_54 = arith.constant 0.000000e+00 : f32
    %max3A_55 = vector.broadcast %max3A_54 : f32 to vector<1024x128xf32>
    %max3A_56 = arith.maximumf %add3A_53, %max3A_55 : vector<1024x128xf32>
    %get3A_57 = arith.constant 0 : index
    %get3A_58 = arith.constant 0 : index
    %get3A_59 = vector.load %arg5[%get3A_57, %get3A_58] : memref<128x128xf32, #tpu.memory_space<vmem>>, vector<128x128xf32>
    %dot_general3A_60 = arith.constant dense<0.000000e+00> : vector<1024x128xf32>
    %dot_general3A_61 = tpu.matmul %max3A_56, %get3A_59, %dot_general3A_60 {dimension_numbers = #tpu.dot_dimension_numbers<[1], [0], [0], [1], [0, 0, 1, 1], [], []>, transpose_lhs_hint = false} : vector<1024x128xf32>, vector<128x128xf32>, vector<1024x128xf32> -> vector<1024x128xf32>
    %swap3A = arith.constant 0 : index
    %swap3A_62 = arith.constant 0 : index
    %swap3A_63 = vector.load %arg8[%swap3A, %swap3A_62] : memref<1024x128xf32, #tpu.memory_space<vmem>>, vector<1024x128xf32>
    tpu.vector_store %arg8[%swap3A, %swap3A_62], %dot_general3A_61 {strides = array<i32>} : memref<1024x128xf32, #tpu.memory_space<vmem>>, vector<1024x128xf32>,
    %get3A_64 = arith.constant 0 : index
    %get3A_65 = arith.constant 0 : index
    %get3A_66 = vector.load %arg6[%get3A_64, %get3A_65] : memref<128x128xf32, #tpu.memory_space<vmem>>, vector<128x128xf32>
    %dot_general3A_67 = arith.constant dense<0.000000e+00> : vector<1024x128xf32>
    %dot_general3A_68 = tpu.matmul %max3A_56, %get3A_66, %dot_general3A_67 {dimension_numbers = #tpu.dot_dimension_numbers<[1], [0], [0], [1], [0, 0, 1, 1], [], []>, transpose_lhs_hint = false} : vector<1024x128xf32>, vector<128x128xf32>, vector<1024x128xf32> -> vector<1024x128xf32>
    %get3A_69 = arith.constant 0 : index
    %get3A_70 = arith.constant 0 : index
    %get3A_71 = vector.load %arg7[%get3A_69, %get3A_70] : memref<1x128xf32, #tpu.memory_space<vmem>>, vector<1x128xf32>
    %add3A_72 = vector.broadcast %get3A_71 : vector<1x128xf32> to vector<1024x128xf32>
    %add3A_73 = arith.addf %dot_general3A_68, %add3A_72 : vector<1024x128xf32>
    %swap3A_74 = arith.constant 0 : index
    %swap3A_75 = arith.constant 0 : index
    %swap3A_76 = vector.load %arg9[%swap3A_74, %swap3A_75] : memref<1024x128xf32, #tpu.memory_space<vmem>>, vector<1024x128xf32>
    tpu.vector_store %arg9[%swap3A_74, %swap3A_75], %add3A_73 {strides = array<i32>} : memref<1024x128xf32, #tpu.memory_space<vmem>>, vector<1024x128xf32>,
    return
  }
  func.func @transform_0(%arg0: i32) -> (i32, i32) {
    %c0_i32 = arith.constant 0 : i32
    %c0_i32_0 = arith.constant 0 : i32
    return %arg0, %c0_i32 : i32, i32
  }
  func.func @transform_1(%arg0: i32) -> (i32, i32) {
    %add3A = arith.constant 10 : i32
    %add3A_0 = arith.addi %add3A, %arg0 : i32
    %c0_i32 = arith.constant 0 : i32
    %c0_i32_1 = arith.constant 0 : i32
    return %add3A_0, %c0_i32 : i32, i32
  }
  func.func @transform_2(%arg0: i32) -> (i32, i32) {
    %c0_i32 = arith.constant 0 : i32
    %c0_i32_0 = arith.constant 0 : i32
    return %arg0, %c0_i32 : i32, i32
  }
  func.func @transform_3(%arg0: i32) -> (i32, i32) {
    %c0_i32 = arith.constant 0 : i32
    %c0_i32_0 = arith.constant 0 : i32
    return %arg0, %c0_i32 : i32, i32
  }
  func.func @transform_4(%arg0: i32) -> (i32, i32) {
    %c0_i32 = arith.constant 0 : i32
    %c0_i32_0 = arith.constant 0 : i32
    %c0_i32_1 = arith.constant 0 : i32
    return %c0_i32, %c0_i32_0 : i32, i32
  }
  func.func @transform_5(%arg0: i32) -> (i32, i32) {
    %c0_i32 = arith.constant 0 : i32
    %c0_i32_0 = arith.constant 0 : i32
    %c0_i32_1 = arith.constant 0 : i32
    return %c0_i32, %c0_i32_0 : i32, i32
  }
  func.func @transform_6(%arg0: i32) -> (i32, i32) {
    %c0_i32 = arith.constant 0 : i32
    %c0_i32_0 = arith.constant 0 : i32
    %c0_i32_1 = arith.constant 0 : i32
    return %c0_i32, %c0_i32_0 : i32, i32
  }
  func.func @transform_7(%arg0: i32) -> (i32, i32) {
    %c0_i32 = arith.constant 0 : i32
    %c0_i32_0 = arith.constant 0 : i32
    return %arg0, %c0_i32 : i32, i32
  }
  func.func @transform_8(%arg0: i32) -> (i32, i32) {
    %c0_i32 = arith.constant 0 : i32
    %c0_i32_0 = arith.constant 0 : i32
    return %arg0, %c0_i32 : i32, i32
  }
}

module attributes {stable_mosaic.version = 14 : i64} {
  func.func @_post_body(%arg0: i32, %arg1: memref<1024x128xf32, #tpu.memory_space<vmem>>, %arg2: memref<1024x128xf32, #tpu.memory_space<vmem>>, %arg3: memref<8x128xf32, #tpu.memory_space<vmem>>, %arg4: memref<1024x128xf32, #tpu.memory_space<vmem>>, %arg5: memref<1024x128xf32, #tpu.memory_space<vmem>>) attributes {dimension_semantics = [#tpu.dimension_semantics<arbitrary>], iteration_bounds = array<i64: 10>, scalar_prefetch = 0 : i64, scratch_operands = 0 : i64, tpu.core_type = #tpu.core_type<tc>, window_params = [{transform_indices = @transform_0, window_bounds = array<i64: 1024, 128>}, {transform_indices = @transform_1, window_bounds = array<i64: 1024, 128>}, {transform_indices = @transform_2, window_bounds = array<i64: 8, 128>}, {transform_indices = @transform_3, window_bounds = array<i64: 1024, 128>}, {transform_indices = @transform_4, window_bounds = array<i64: 1024, 128>}]} {
    %get3A = arith.constant 0 : index
    %get3A_0 = arith.constant 0 : index
    %get3A_1 = vector.load %arg3[%get3A, %get3A_0] : memref<8x128xf32, #tpu.memory_space<vmem>>, vector<8x128xf32>
    %max3A = arith.constant 1.000000e+00 : f32
    %max3A_2 = vector.broadcast %max3A : f32 to vector<8x128xf32>
    %max3A_3 = arith.maximumf %get3A_1, %max3A_2 : vector<8x128xf32>
    %div3A = arith.constant 1.000000e+00 : f32
    %div3A_4 = vector.broadcast %div3A : f32 to vector<8x128xf32>
    %div3A_5 = arith.divf %div3A_4, %max3A_3 : vector<8x128xf32>
    %iota3A = tpu.iota {dimensions = array<i32: 0>} : vector<1024x8xi32>
    %jit3A = arith.constant 128 : i32
    %div3A_6 = vector.broadcast %jit3A : i32 to vector<1024x8xi32>
    %div3A_7 = arith.divsi %iota3A, %div3A_6 : vector<1024x8xi32>
    %sign3A = arith.constant 0 : i32
    %sign3A_8 = vector.broadcast %sign3A : i32 to vector<1024x8xi32>
    %sign3A_9 = arith.cmpi sgt, %iota3A, %sign3A_8 : vector<1024x8xi32>
    %sign3A_10 = arith.extui %sign3A_9 : vector<1024x8xi1> to vector<1024x8xi32>
    %sign3A_11 = arith.constant 0 : i32
    %sign3A_12 = vector.broadcast %sign3A_11 : i32 to vector<1024x8xi32>
    %sign3A_13 = arith.cmpi slt, %iota3A, %sign3A_12 : vector<1024x8xi32>
    %sign3A_14 = arith.extui %sign3A_13 : vector<1024x8xi1> to vector<1024x8xi32>
    %sign3A_15 = arith.subi %sign3A_10, %sign3A_14 : vector<1024x8xi32>
    %sign3A_16 = arith.constant 0 : i32
    %sign3A_17 = arith.cmpi sgt, %jit3A, %sign3A_16 : i32
    %sign3A_18 = arith.extui %sign3A_17 : i1 to i32
    %sign3A_19 = arith.constant 0 : i32
    %sign3A_20 = arith.cmpi slt, %jit3A, %sign3A_19 : i32
    %sign3A_21 = arith.extui %sign3A_20 : i1 to i32
    %sign3A_22 = arith.subi %sign3A_18, %sign3A_21 : i32
    %ne3A = vector.broadcast %sign3A_22 : i32 to vector<1024x8xi32>
    %ne3A_23 = arith.cmpi ne, %sign3A_15, %ne3A : vector<1024x8xi32>
    %rem3A = vector.broadcast %jit3A : i32 to vector<1024x8xi32>
    %rem3A_24 = arith.remsi %iota3A, %rem3A : vector<1024x8xi32>
    %ne3A_25 = arith.constant 0 : i32
    %ne3A_26 = vector.broadcast %ne3A_25 : i32 to vector<1024x8xi32>
    %ne3A_27 = arith.cmpi ne, %rem3A_24, %ne3A_26 : vector<1024x8xi32>
    %and3A = arith.andi %ne3A_23, %ne3A_27 : vector<1024x8xi1>
    %sub3A = arith.constant 1 : i32
    %sub3A_28 = vector.broadcast %sub3A : i32 to vector<1024x8xi32>
    %sub3A_29 = arith.subi %div3A_7, %sub3A_28 : vector<1024x8xi32>
    %select_n3A = arith.select %and3A, %sub3A_29, %div3A_7 : vector<1024x8xi1>, vector<1024x8xi32>
    %iota3A_30 = tpu.iota {dimensions = array<i32: 1>} : vector<1024x8xi32>
    %eq3A = arith.cmpi eq, %select_n3A, %iota3A_30 : vector<1024x8xi32>
    %convert_element_type3A = arith.extui %eq3A : vector<1024x8xi1> to vector<1024x8xi32>
    %convert_element_type3A_31 = arith.sitofp %convert_element_type3A : vector<1024x8xi32> to vector<1024x8xf32>
    %iota3A_32 = tpu.iota {dimensions = array<i32: 0>} : vector<1024x128xi32>
    %rem3A_33 = arith.constant 128 : i32
    %rem3A_34 = vector.broadcast %rem3A_33 : i32 to vector<1024x128xi32>
    %rem3A_35 = arith.remsi %iota3A_32, %rem3A_34 : vector<1024x128xi32>
    %iota3A_36 = tpu.iota {dimensions = array<i32: 1>} : vector<1024x128xi32>
    %eq3A_37 = arith.cmpi eq, %rem3A_35, %iota3A_36 : vector<1024x128xi32>
    %convert_element_type3A_38 = arith.extui %eq3A_37 : vector<1024x128xi1> to vector<1024x128xi32>
    %convert_element_type3A_39 = arith.sitofp %convert_element_type3A_38 : vector<1024x128xi32> to vector<1024x128xf32>
    %dot_general3A = arith.constant dense<0.000000e+00> : vector<1024x128xf32>
    %dot_general3A_40 = tpu.matmul %convert_element_type3A_31, %div3A_5, %dot_general3A {dimension_numbers = #tpu.dot_dimension_numbers<[1], [0], [0], [1], [0, 0, 1, 1], [], []>, transpose_lhs_hint = false} : vector<1024x8xf32>, vector<8x128xf32>, vector<1024x128xf32> -> vector<1024x128xf32>
    %mul3A = arith.mulf %dot_general3A_40, %convert_element_type3A_39 : vector<1024x128xf32>
    %reduce_sum3A = arith.constant dense<0.000000e+00> : vector<1024xf32>
    %reduce_sum3A_41 = vector.multi_reduction <add>, %mul3A, %reduce_sum3A [1] : vector<1024x128xf32> to vector<1024xf32>
    %broadcast_in_dim3A = vector.shape_cast %reduce_sum3A_41 : vector<1024xf32> to vector<1024x1xf32>
    %get3A_42 = arith.constant 0 : index
    %get3A_43 = arith.constant 0 : index
    %get3A_44 = vector.load %arg1[%get3A_42, %get3A_43] : memref<1024x128xf32, #tpu.memory_space<vmem>>, vector<1024x128xf32>
    %get3A_45 = arith.constant 0 : index
    %get3A_46 = arith.constant 0 : index
    %get3A_47 = vector.load %arg2[%get3A_45, %get3A_46] : memref<1024x128xf32, #tpu.memory_space<vmem>>, vector<1024x128xf32>
    %add3A = arith.addf %get3A_44, %get3A_47 : vector<1024x128xf32>
    %mul3A_48 = vector.broadcast %broadcast_in_dim3A : vector<1024x1xf32> to vector<1024x128xf32>
    %mul3A_49 = arith.mulf %add3A, %mul3A_48 : vector<1024x128xf32>
    %get3A_50 = arith.constant 0 : index
    %get3A_51 = arith.constant 0 : index
    %get3A_52 = vector.load %arg4[%get3A_50, %get3A_51] : memref<1024x128xf32, #tpu.memory_space<vmem>>, vector<1024x128xf32>
    %add3A_53 = arith.addf %mul3A_49, %get3A_52 : vector<1024x128xf32>
    %swap3A = arith.constant 0 : index
    %swap3A_54 = arith.constant 0 : index
    %swap3A_55 = vector.load %arg5[%swap3A, %swap3A_54] : memref<1024x128xf32, #tpu.memory_space<vmem>>, vector<1024x128xf32>
    tpu.vector_store %arg5[%swap3A, %swap3A_54], %add3A_53 {strides = array<i32>} : memref<1024x128xf32, #tpu.memory_space<vmem>>, vector<1024x128xf32>,
    return
  }
  func.func @transform_0(%arg0: i32) -> (i32, i32) {
    %c0_i32 = arith.constant 0 : i32
    %c0_i32_0 = arith.constant 0 : i32
    return %arg0, %c0_i32 : i32, i32
  }
  func.func @transform_1(%arg0: i32) -> (i32, i32) {
    %add3A = arith.constant 10 : i32
    %add3A_0 = arith.addi %add3A, %arg0 : i32
    %c0_i32 = arith.constant 0 : i32
    %c0_i32_1 = arith.constant 0 : i32
    return %add3A_0, %c0_i32 : i32, i32
  }
  func.func @transform_2(%arg0: i32) -> (i32, i32) {
    %c0_i32 = arith.constant 0 : i32
    %c0_i32_0 = arith.constant 0 : i32
    return %arg0, %c0_i32 : i32, i32
  }
  func.func @transform_3(%arg0: i32) -> (i32, i32) {
    %c0_i32 = arith.constant 0 : i32
    %c0_i32_0 = arith.constant 0 : i32
    return %arg0, %c0_i32 : i32, i32
  }
  func.func @transform_4(%arg0: i32) -> (i32, i32) {
    %c0_i32 = arith.constant 0 : i32
    %c0_i32_0 = arith.constant 0 : i32
    return %arg0, %c0_i32 : i32, i32
  }
}

</mosaic_0001>

<sc_bundles>
// kernel: seg_sum.4.cloned.1.call-start
scs
__scs_entry_jumppad:
0x0: {  	(pc) =	sbr.rel $0x88, $3  }
0x1: {  	(tag) =	ssettag $0x0;
	lr =	simm.s32 $0x1  }
0x2: {  	[smem:$0x3F99] =	sst lr;
	_ =	strace $0xD0000000  }
0x3: {  	_ = 	snop  }
0x4: {  	_ = 	snop  }
0x5: {  	_ = 	snop  }
0x6: {  	_ = 	snop  }
0x7: {  	_ = 	snop  }
__scs_overlays_trampoline_lowered:
0x8: {  	[smem:$0x3FA8] =	sst s0  }
0x9: {  	[smem:$0x3FA9] =	sst s1  }
0xa: {  	[smem:$0x3FAA] =	sst s2  }
0xb: {  	[smem:$0x3FAB] =	sst s3  }
0xc: {  	[smem:$0x3FAC] =	sst s4  }
0xd: {  	[smem:$0x3FAD] =	sst s5  }
0xe: {  	[smem:$0x3FAE] =	sst s6  }
0xf: {  	[smem:$0x3FAF] =	sst s7  }
0x10: {  	[smem:$0x3FB0] =	sst s8  }
0x11: {  	[smem:$0x3FB1] =	sst s9;
	s0 =	simm.s32 @!p0 $0x0  }
0x12: {  	s1 =	sld [smem:$0x3F97];
	s0 =	simm.s32 @p0 $0x1  }
0x13: {  	[smem:$0x3FB2] =	sst s0;
	s0 =	simm.s32 @!p1 $0x0  }
0x14: {  	s2 =	sld [smem:$0x3F96];
	s0 =	simm.s32 @p1 $0x1  }
0x15: {  	[smem:$0x3FB3] =	sst s0;
	s0 =	simm.s32 @!p2 $0x0  }
0x16: {  	s3 =	sld [smem:$0x3FDB];
	s0 =	simm.s32 @p2 $0x1  }
0x17: {  	s4 =	simm.s32 $0x1BF5;
	[smem:$0x3FB5] =	sst s0  }
0x18: {  	s0 =	sld [smem:$0x3F98];
	_ =	swait.ge [sflag:s4], $0x0  }
0x19: {  	s7 =	sld [smem:$0x3F99]  }
0x1a: {  	s8 =	sadd.s32 $0xFFFFE003, lr  }
0x1b: {  	s9 =	sadd.s32 $0xFFFFFEF7, lr;
	s5 =	simm.s32 $0xFFFFFFFF;
	p2 =	slt.u32 s8, $0xFFFFF086  }
0x1c: {  	p1 =	slt.u32 s9, $0xF7A;
	s5 =	simm.s32 @!p2 $0x0  }
0x1d: {  	s5 =	simm.s32 @p1 $0x1;
	p0 =	seq.s32 s7, s2  }
0x1e: {  	s7 =	smul.u32 @!p0 $0xF7A, s2;
	p2 =	seq.s32 @!p0 s5, $0x0  }
0x1f: {  	s9 =	smul.u32 $0xF7A, s1;
	s8 =	simm.s32 @!p0 $0x1BF5;
	p2 =	por !p2, p0  }
0x20: {  	[sflag:s8] =	ssyncset.s32 @!p0 $0xFFFFF086;
	s6 =	sadd.s32 @!p0 s3, s7;
	s7 =	simm.s32 @!p0 $0x108  }
0x21: {  	s3 =	sadd.s32 s3, s9;
	s6 =	sadd.s32 @!p0 $0x88, s6;
	s7 =	simm.s32 @p2 $0x1082  }
0x22: {  	[simem:s7], [sflag:s8] =	dma.local @!p0 [hbm:s6], $0xF7A  }
0x23: {  	s9 =	sor.u32 $0xD0000000, s2;
	s6 =	simm.s32 $0x108;
	_ =	swait.ge @!p0 [sflag:s8], $0x0  }
0x24: {  	s3 =	sadd.s32 $0x88, s3;
	s6 =	simm.s32 @!p1 $0x1082;
	[sflag:s4] =	ssyncset.s32 $0xFFFFF086  }
0x25: {  	[simem:s6], [sflag:s4] =	dma.local [hbm:s3], $0xF7A  }
0x26: {  	[smem:$0x3F99] =	sst s1;
	(tag) =	ssettag s2;
	_ =	strace s9  }
0x27: {  	s1 =	sld [smem:$0x3FA9]  }
0x28: {  	s2 =	sld [smem:$0x3FAA]  }
0x29: {  	s4 =	sld [smem:$0x3FAC]  }
0x2a: {  	p0 =	seq.s32 s5, $0x0;
	s5 =	sld [smem:$0x3FAD]  }
0x2b: {  	s6 =	sld [smem:$0x3FAE]  }
0x2c: {  	s7 =	sld [smem:$0x3FAF]  }
0x2d: {  	s3 =	simm.s32 $0x108;
	s8 =	sld [smem:$0x3FB0]  }
0x2e: {  	s3 =	simm.s32 @!p0 $0x1082;
	s9 =	sld [smem:$0x3FB1]  }
0x2f: {  	lr =	sadd.s32 s0, s3;
	s0 =	sld [smem:$0x3FA8]  }
0x30: {  	s3 =	sld [smem:$0x3FAB]  }
0x31: {  	[smem:$0x3FB4] =	sst s10  }
0x32: {  	s10 =	sld [smem:$0x3FB2];
	_ =	sdelay $0x3  }
0x33: {  	p0 =	seq.s32 s10, $0x1;
	s10 =	sld [smem:$0x3FB4];
	_ =	sdelay $0x3  }
0x34: {  	[smem:$0x3FB4] =	sst s10  }
0x35: {  	s10 =	sld [smem:$0x3FB3];
	_ =	sdelay $0x3  }
0x36: {  	p1 =	seq.s32 s10, $0x1;
	s10 =	sld [smem:$0x3FB4];
	_ =	sdelay $0x3  }
0x37: {  	[smem:$0x3FB4] =	sst s10  }
0x38: {  	s10 =	sld [smem:$0x3FB5]  }
0x39: {  	_ = 	snop;
	(pc) =	sbr.ind lr, $3  }
0x3a: {  	_ = 	snop  }
0x3b: {  	_ = 	snop  }
0x3c: {  	p2 =	seq.s32 s10, $0x1;
	s10 =	sld [smem:$0x3FB4]  }
0x3d: {  	_ =	shalt  }
0x3e: {  	_ =	shalt  }
0x3f: {  	_ =	shalt  }
0x40: {  	_ =	shalt  }
0x41: {  	_ =	shalt  }
0x42: {  	_ =	shalt  }
0x43: {  	_ =	shalt  }
0x44: {  	_ =	shalt  }
0x45: {  	_ =	shalt  }
0x46: {  	_ =	shalt  }
0x47: {  	_ =	shalt  }
0x48: {  	_ =	shalt  }
0x49: {  	_ =	shalt  }
0x4a: {  	_ =	shalt  }
0x4b: {  	_ =	shalt  }
0x4c: {  	_ =	shalt  }
0x4d: {  	_ =	shalt  }
0x4e: {  	_ =	shalt  }
0x4f: {  	_ =	shalt  }
0x50: {  	_ =	shalt  }
0x51: {  	_ =	shalt  }
0x52: {  	_ =	shalt  }
0x53: {  	_ =	shalt  }
0x54: {  	_ =	shalt  }
0x55: {  	_ =	shalt  }
0x56: {  	_ =	shalt  }
0x57: {  	_ =	shalt  }
0x58: {  	_ =	shalt  }
0x59: {  	_ =	shalt  }
0x5a: {  	_ =	shalt  }
0x5b: {  	_ =	shalt  }
0x5c: {  	_ =	shalt  }
0x5d: {  	_ =	shalt  }
0x5e: {  	_ =	shalt  }
0x5f: {  	_ =	shalt  }
0x60: {  	_ =	shalt  }
0x61: {  	_ =	shalt  }
0x62: {  	_ =	shalt  }
0x63: {  	_ =	shalt  }
0x64: {  	_ =	shalt  }
0x65: {  	_ =	shalt  }
0x66: {  	_ =	shalt  }
0x67: {  	_ =	shalt  }
0x68: {  	_ =	shalt  }
0x69: {  	_ =	shalt  }
0x6a: {  	_ =	shalt  }
0x6b: {  	_ =	shalt  }
0x6c: {  	_ =	shalt  }
0x6d: {  	_ =	shalt  }
0x6e: {  	_ =	shalt  }
0x6f: {  	_ =	shalt  }
0x70: {  	_ =	shalt  }
0x71: {  	_ =	shalt  }
0x72: {  	_ =	shalt  }
0x73: {  	_ =	shalt  }
0x74: {  	_ =	shalt  }
0x75: {  	_ =	shalt  }
0x76: {  	_ =	shalt  }
0x77: {  	_ =	shalt  }
0x78: {  	_ =	shalt  }
0x79: {  	_ =	shalt  }
0x7a: {  	_ =	shalt  }
0x7b: {  	_ =	shalt  }
0x7c: {  	_ =	shalt  }
0x7d: {  	_ =	shalt  }
0x7e: {  	_ =	shalt  }
0x7f: {  	_ =	shalt  }
0x80: {  	_ =	shalt  }
0x81: {  	_ =	shalt  }
0x82: {  	_ =	shalt  }
0x83: {  	_ =	shalt  }
0x84: {  	_ =	shalt  }
0x85: {  	_ =	shalt  }
0x86: {  	_ =	shalt  }
0x87: {  	_ =	shalt  }
.Lfunc_end0:
.L_simem_size_0:
called_computation_lowered:
.L_overlay_start_0:
0x88: {  	s2 =	sld [smem:$0x3FD9]  }
0x89: {  	s3 =	sld [smem:$0x3FFE];
	_ =	sdelay $0x1  }
0x8a: {  	s1 =	srdreg.scid  }
0x8b: {  	s0 =	sand.u32 $0x1, s1  }
0x8c: {  	s17 =	sshll.u32 s0, $0xA;
	s2 =	sadd.s32 s3, s2  }
0x8d: {  	s2 =	sadd.s32 s2, s17  }
0x8e: {  	[smem:$0x3FC0] =	sst s2  }
0x8f: {  	_ = 	snop  }
0x90: {  	s2 =	sld [smem:$0x3FD0];
	(tm) =	ssettm $0x1  }
0x91: {  	s18 =	sld [smem:$0x3FFB];
	_ =	sdelay $0x3  }
0x92: {  	_ =	strace s18  }
0x93: {  	s3 =	sld [smem:$0x3FFC];
	_ =	sdelay $0x3  }
0x94: {  	_ =	strace s3  }
0x95: {  	s3 =	sld [smem:$0x3FFD];
	_ =	sdelay $0x3  }
0x96: {  	_ =	strace s3  }
0x97: {  	_ =	strace $0x8FFFFFFF  }
0x98: {  	s19 =	sld [smem:$0x3FDB];
	_ =	sdelay $0x1  }
0x99: {  	s4 =	simm.s32 $_scs_section_size  }
0x9a: {  	s5 =	simm.s32 $_size__tile_overlayer_lowered;
	s6 =	simm.s32 $_tile_overlayer_lowered  }
0x9b: {  	s22 =	simm.s32 $0x1BFF;
	s21 =	sshll.u32 s6, $0x1;
	s3 =	sadd.s32 s4, s19  }
0x9c: {  	s7 =	simm.s32 $0x0;
	s20 =	sshll.u32 s5, $0x1;
	s5 =	sadd.s32 s21, s3  }
0x9d: {  	[timem:s7], [sflag:s22] =	dma.local [hbm:s5], s20  }
0x9e: {  	_ =	swait.ge [sflag:s22], s20  }
0x9f: {  	s4 =	ssub.s32 $0x0, s20;
	[sflag:s22] =	ssyncset.done $0x0  }
0xa0: {  	[sflag:s22] =	ssyncadd.s32 s4;
	_ =	sdelay $0x1  }
0xa1: {  	s23 =	simm.s32 $0x1B8B  }
0xa2: {  	_ =	swait.ge [sflag:s23], $0x1  }
0xa3: {  	[sflag:s23] =	ssyncset.done $0x0  }
0xa4: {  	s25 =	simm.s32 $0x1B8E;
	s24 =	sld [smem:$0x3FFE];
	[sflag:s23] =	ssyncadd.s32 $0xFFFFFFFF  }
0xa5: {  	s26 =	simm.s32 $execute0_lowered;
	[smem:$0x3FD2] =	sst s25  }
0xa6: {  	s5 =	sshll.u32 s26, $0x1;
	_ =	strace $0x80000046;
	[dreg:$0x1] =	wrdreg $0xFFFFFFFF  }
0xa7: {  	s28 =	simm.s32 $_size_execute0_lowered;
	s3 =	sadd.s32 s3, s5;
	[dreg:$0x0] =	wrdreg $0x0  }
0xa8: {  	s5 =	sshll.u32 s28, $0x1;
	[dreg:$0x2] =	wrdreg s3  }
0xa9: {  	[dreg:$0x3] =	wrdreg s5  }
0xaa: {  	[dreg:$0x4] =	wrdreg $0xC0  }
0xab: {  	_ =	task [dreg:s7], $0x5FFFF  }
0xac: {  	[dreg:$0x1] =	wrdreg $0xFFFFFFFF  }
0xad: {  	[dreg:$0x0] =	wrdreg $0x60  }
0xae: {  	[dreg:$0x2] =	wrdreg s24  }
0xaf: {  	[dreg:$0x3] =	wrdreg s2  }
0xb0: {  	[dreg:$0x4] =	wrdreg $0x0  }
0xb1: {  	[dreg:$0x5] =	wrdreg $0x9  }
0xb2: {  	_ =	task.clear_ibuf [dreg:s7], $0x6FFFF;
	_ =	strace $0x90000046  }
0xb3: {  	s29 =	simm.s32 $0x9;
	_ =	strace $0x80000048  }
0xb4: {  	_ =	swait.ge [sflag:s29], $0x1  }
0xb5: {  	[sflag:s29] =	ssyncadd.s32 $0xFFFFFFFF  }
0xb6: {  	_ =	strace $0x90000048  }
0xb7: {  	_ =	sfence  }
0xb8: {  	s30 =	sld [smem:$0x0];
	_ =	sdelay $0x2  }
0xb9: {  	s31 =	sshll.u32 s1, $0xD;
	s1 =	sshrl.u32 s1, $0x2  }
0xba: {  	s3 =	sand.u32 $0x4000, s31;
	s1 =	sadd.s32 s1, s30  }
0xbb: {  	s0 =	sor.u32 s3, s0;
	s1 =	sshll.u32 s1, $0x11  }
0xbc: {  	s0 =	sor.u32 s1, s0  }
0xbd: {  	s0 =	sadd.s32 $0x8F2B, s0  }
0xbe: {  	[sflag:s0] =	ssyncadd.remote.s32 $0x1  }
0xbf: {  	_ =	sfence.sel $0xFFFF  }
0xc0: {  	[dreg:$0x0] =	wrdreg $0xFFFFFFFF;
	(pc) =	sbr.abs _section_cstart, $3  }
0xc1: {  	[dreg:$0x1] =	wrdreg $0xFFFFFFFF  }
0xc2: {  	_ =	task.clear_ibuf [dreg:s7], $0x2FFFF;
	_ =	strace $0x9FFFFFFF  }
0xc3: {  	(tm) =	ssettm $0x7FFFFFFF  }
tec
execute0_lowered:
.L_overlay_start_1:
0x0: {  	(tag) =	ssettag $0x1  }
0x1: {  	s0 =	rddreg [dreg:$0x0];
	s10 =	stileid.u32  }
0x2: {  	s1 =	srdreg.scid;
	s6 =	smul.u32 $0x2710, s10  }
0x3: {  	s5 =	rddreg [dreg:$0x1];
	s8 =	smul.u32 $0x14000, s10  }
0x4: {  	s2 =	rddreg [dreg:$0x2];
	s1 =	sand.u32 $0x1, s1;
	s10 =	smul.u32 $0x50000, s10  }
0x5: {  	s3 =	simm.s32 $0x0;
	s31 =	simm.s32 $0x16900;
	s4 =	smul.u32 $0x27100, s1  }
0x6: {  	[smem:$0x7FF] =	sst s3;
	s11 =	sadd.s32 $0x33800, s0;
	s18 =	smul.u32 $0x140000, s1  }
0x7: {  	_ =	strace $0x80000047;
	[dreg:$0x4] =	wrdreg s11;
	s1 =	ssub.s32 $0x2, s1  }
0x8: {  	s19 =	sshrl.u32 s1, $0x1;
	s10 =	sshrl.u32 s10, $0x2;
	s4 =	sadd.s32 s6, s4  }
0x9: {  	s6 =	sadd.s32 s8, s18;
	s1 =	ssub.s32 s1, s19;
	s11 =	sadd.s32 s10, s2  }
0xa: {  	s8 =	simm.s32 $0x14100;
	s7 =	sshrl.u32 s4, $0x3;
	s4 =	sadd.s32 $0xB800, s0  }
0xb: {  	s6 =	sshrl.u32 s6, $0x3;
	s1 =	smax.u32 s1, $0x1;
	s20 =	sadd.s32 $0x1000, s11  }
0xc: {  	s21 =	sadd.s32 $0x2000, s11;
	s22 =	sadd.s32 $0x3000, s11;
	[dreg:$0x5] =	wrdreg s1  }
0xd: {  	s23 =	sadd.s32 $0x4000, s11;
	s24 =	sadd.s32 $0x5000, s11;
	[dreg:$0x6] =	wrdreg s20  }
0xe: {  	s25 =	sadd.s32 $0x6000, s11;
	s26 =	sadd.s32 $0x7000, s11;
	[dreg:$0x7] =	wrdreg s21  }
0xf: {  	s15 =	sadd.s32 $0x8000, s11;
	s16 =	sadd.s32 $0x9000, s11;
	[dreg:$0x8] =	wrdreg s22  }
0x10: {  	s17 =	sadd.s32 $0xA000, s11;
	s18 =	sadd.s32 $0xB000, s11;
	[dreg:$0x9] =	wrdreg s23  }
0x11: {  	s19 =	sadd.s32 $0xC000, s11;
	s28 =	sadd.s32 $0x11000, s11;
	[dreg:$0xa] =	wrdreg s24  }
0x12: {  	s29 =	sadd.s32 $0x12000, s11;
	s30 =	sadd.s32 $0x13000, s11;
	[dreg:$0xb] =	wrdreg s25  }
0x13: {  	s9 =	sadd.s32 s7, s0;
	s0 =	sadd.s32 s6, s0;
	[dreg:$0xc] =	wrdreg s26  }
0x14: {  	s20 =	sadd.s32 $0xD000, s11;
	s21 =	sadd.s32 $0xE000, s11;
	s22 =	sadd.s32 s7, s5  }
0x15: {  	s23 =	sadd.s32 $0xF000, s11;
	s26 =	sadd.s32 $0x10000, s11;
	s1 =	simm.s32 $0x1  }
0x16: {  	s5 =	simm.s32 $0x14080;
	s7 =	simm.s32 $0x50;
	s24 =	sadd.s32 $0x1A00, s9  }
0x17: {  	s25 =	sadd.s32 $0x33A00, s0;
	s0 =	simm.s32 $0x14000;
	s9 =	simm.s32 $0x0  }
.LBB2_1:
0x18: {  	s6 =	rddreg [dreg:$0x4]  }
0x19: {  	[tilespmem:s31], [sflag:$0x1] =	stream.linear.gather [hbm4b:s6+s3], $0x1000, $0x38;
	[tilespmem:$0x17900] =	vst v63  }
0x1a: {  	_ =	swait.ge [sflag:s1], $0x1000  }
0x1b: {  	[sflag:s1] =	ssyncset.done $0x0  }
0x1c: {  	[sflag:s1] =	ssyncadd.s32 $0xFFFFF000  }
0x1d: {  	[spmem:s11] =	stream.linear.scatter [tilespmem:s31], [sflag:$0x1], $0x1000, $0x38;
	[tilespmem:$0x17900] =	vst v63  }
0x1e: {  	_ =	swait.ge [sflag:s1], $0x1000  }
0x1f: {  	[sflag:s1] =	ssyncset.done $0x0  }
0x20: {  	s14 =	rddreg [dreg:$0x6];
	[sflag:s1] =	ssyncadd.s32 $0xFFFFF000  }
0x21: {  	[spmem:s14] =	stream.linear.scatter [tilespmem:s31], [sflag:$0x1], $0x1000, $0x38;
	[tilespmem:$0x17900] =	vst v63  }
0x22: {  	_ =	swait.ge [sflag:s1], $0x1000  }
0x23: {  	[sflag:s1] =	ssyncset.done $0x0  }
0x24: {  	s10 =	rddreg [dreg:$0x7];
	[sflag:s1] =	ssyncadd.s32 $0xFFFFF000  }
0x25: {  	[spmem:s10] =	stream.linear.scatter [tilespmem:s31], [sflag:$0x1], $0x1000, $0x38;
	[tilespmem:$0x17900] =	vst v63  }
0x26: {  	_ =	swait.ge [sflag:s1], $0x1000  }
0x27: {  	[sflag:s1] =	ssyncset.done $0x0  }
0x28: {  	s12 =	rddreg [dreg:$0x8];
	[sflag:s1] =	ssyncadd.s32 $0xFFFFF000  }
0x29: {  	[spmem:s12] =	stream.linear.scatter [tilespmem:s31], [sflag:$0x1], $0x1000, $0x38;
	[tilespmem:$0x17900] =	vst v63  }
0x2a: {  	_ =	swait.ge [sflag:s1], $0x1000  }
0x2b: {  	[sflag:s1] =	ssyncset.done $0x0  }
0x2c: {  	s13 =	rddreg [dreg:$0x9];
	[sflag:s1] =	ssyncadd.s32 $0xFFFFF000  }
0x2d: {  	[spmem:s13] =	stream.linear.scatter [tilespmem:s31], [sflag:$0x1], $0x1000, $0x38;
	[tilespmem:$0x17900] =	vst v63  }
0x2e: {  	_ =	swait.ge [sflag:s1], $0x1000  }
0x2f: {  	[sflag:s1] =	ssyncset.done $0x0  }
0x30: {  	s14 =	rddreg [dreg:$0xa];
	[sflag:s1] =	ssyncadd.s32 $0xFFFFF000  }
0x31: {  	[spmem:s14] =	stream.linear.scatter [tilespmem:s31], [sflag:$0x1], $0x1000, $0x38;
	[tilespmem:$0x17900] =	vst v63  }
0x32: {  	_ =	swait.ge [sflag:s1], $0x1000  }
0x33: {  	[sflag:s1] =	ssyncset.done $0x0  }
0x34: {  	s10 =	rddreg [dreg:$0xb];
	[sflag:s1] =	ssyncadd.s32 $0xFFFFF000  }
0x35: {  	[spmem:s10] =	stream.linear.scatter [tilespmem:s31], [sflag:$0x1], $0x1000, $0x38;
	[tilespmem:$0x17900] =	vst v63  }
0x36: {  	_ =	swait.ge [sflag:s1], $0x1000  }
0x37: {  	[sflag:s1] =	ssyncset.done $0x0  }
0x38: {  	s12 =	rddreg [dreg:$0xc];
	[sflag:s1] =	ssyncadd.s32 $0xFFFFF000  }
0x39: {  	[spmem:s12] =	stream.linear.scatter [tilespmem:s31], [sflag:$0x1], $0x1000, $0x38;
	[tilespmem:$0x17900] =	vst v63  }
0x3a: {  	_ =	swait.ge [sflag:s1], $0x1000  }
0x3b: {  	[sflag:s1] =	ssyncset.done $0x0  }
0x3c: {  	[sflag:s1] =	ssyncadd.s32 $0xFFFFF000  }
0x3d: {  	[spmem:s15] =	stream.linear.scatter [tilespmem:s31], [sflag:$0x1], $0x1000, $0x38;
	[tilespmem:$0x17900] =	vst v63  }
0x3e: {  	_ =	swait.ge [sflag:s1], $0x1000  }
0x3f: {  	[sflag:s1] =	ssyncset.done $0x0  }
0x40: {  	[sflag:s1] =	ssyncadd.s32 $0xFFFFF000  }
0x41: {  	[spmem:s16] =	stream.linear.scatter [tilespmem:s31], [sflag:$0x1], $0x1000, $0x38;
	[tilespmem:$0x17900] =	vst v63  }
0x42: {  	_ =	swait.ge [sflag:s1], $0x1000  }
0x43: {  	[sflag:s1] =	ssyncset.done $0x0  }
0x44: {  	[sflag:s1] =	ssyncadd.s32 $0xFFFFF000  }
0x45: {  	[spmem:s17] =	stream.linear.scatter [tilespmem:s31], [sflag:$0x1], $0x1000, $0x38;
	[tilespmem:$0x17900] =	vst v63  }
0x46: {  	_ =	swait.ge [sflag:s1], $0x1000  }
0x47: {  	[sflag:s1] =	ssyncset.done $0x0  }
0x48: {  	[sflag:s1] =	ssyncadd.s32 $0xFFFFF000  }
0x49: {  	[spmem:s18] =	stream.linear.scatter [tilespmem:s31], [sflag:$0x1], $0x1000, $0x38;
	[tilespmem:$0x17900] =	vst v63  }
0x4a: {  	_ =	swait.ge [sflag:s1], $0x1000  }
0x4b: {  	[sflag:s1] =	ssyncset.done $0x0  }
0x4c: {  	[sflag:s1] =	ssyncadd.s32 $0xFFFFF000  }
0x4d: {  	[spmem:s19] =	stream.linear.scatter [tilespmem:s31], [sflag:$0x1], $0x1000, $0x38;
	[tilespmem:$0x17900] =	vst v63  }
0x4e: {  	_ =	swait.ge [sflag:s1], $0x1000  }
0x4f: {  	[sflag:s1] =	ssyncset.done $0x0  }
0x50: {  	[sflag:s1] =	ssyncadd.s32 $0xFFFFF000  }
0x51: {  	[spmem:s20] =	stream.linear.scatter [tilespmem:s31], [sflag:$0x1], $0x1000, $0x38;
	[tilespmem:$0x17900] =	vst v63  }
0x52: {  	_ =	swait.ge [sflag:s1], $0x1000  }
0x53: {  	[sflag:s1] =	ssyncset.done $0x0  }
0x54: {  	[sflag:s1] =	ssyncadd.s32 $0xFFFFF000  }
0x55: {  	[spmem:s21] =	stream.linear.scatter [tilespmem:s31], [sflag:$0x1], $0x1000, $0x38;
	[tilespmem:$0x17900] =	vst v63  }
0x56: {  	_ =	swait.ge [sflag:s1], $0x1000  }
0x57: {  	[sflag:s1] =	ssyncset.done $0x0  }
0x58: {  	[sflag:s1] =	ssyncadd.s32 $0xFFFFF000  }
0x59: {  	[spmem:s23] =	stream.linear.scatter [tilespmem:s31], [sflag:$0x1], $0x1000, $0x38;
	[tilespmem:$0x17900] =	vst v63  }
0x5a: {  	_ =	swait.ge [sflag:s1], $0x1000  }
0x5b: {  	[sflag:s1] =	ssyncset.done $0x0  }
0x5c: {  	[sflag:s1] =	ssyncadd.s32 $0xFFFFF000  }
0x5d: {  	[spmem:s26] =	stream.linear.scatter [tilespmem:s31], [sflag:$0x1], $0x1000, $0x38;
	[tilespmem:$0x17900] =	vst v63  }
0x5e: {  	_ =	swait.ge [sflag:s1], $0x1000  }
0x5f: {  	[sflag:s1] =	ssyncset.done $0x0  }
0x60: {  	[sflag:s1] =	ssyncadd.s32 $0xFFFFF000  }
0x61: {  	[spmem:s28] =	stream.linear.scatter [tilespmem:s31], [sflag:$0x1], $0x1000, $0x38;
	[tilespmem:$0x17900] =	vst v63  }
0x62: {  	_ =	swait.ge [sflag:s1], $0x1000  }
0x63: {  	[sflag:s1] =	ssyncset.done $0x0  }
0x64: {  	[sflag:s1] =	ssyncadd.s32 $0xFFFFF000  }
0x65: {  	[spmem:s29] =	stream.linear.scatter [tilespmem:s31], [sflag:$0x1], $0x1000, $0x38;
	[tilespmem:$0x17900] =	vst v63  }
0x66: {  	_ =	swait.ge [sflag:s1], $0x1000  }
0x67: {  	[sflag:s1] =	ssyncset.done $0x0  }
0x68: {  	[sflag:s1] =	ssyncadd.s32 $0xFFFFF000  }
0x69: {  	[spmem:s30] =	stream.linear.scatter [tilespmem:s31], [sflag:$0x1], $0x1000, $0x38;
	[tilespmem:$0x17900] =	vst v63  }
0x6a: {  	_ =	swait.ge [sflag:s1], $0x1000  }
0x6b: {  	[sflag:s1] =	ssyncset.done $0x0  }
0x6c: {  	[sflag:s1] =	ssyncadd.s32 $0xFFFFF000  }
0x6d: {  	s13 =	sadd.s32 $0x0, s24;
	[bflag:$0x0] =	sbarrier.arrive $0xFFFF  }
0x6e: {  	[tilespmem:s0], [sflag:$0x1] =	stream.linear.gather [hbm4b:s13+s3], $0x50, $0x38;
	[tilespmem:$0x17900] =	vst v63  }
0x6f: {  	_ =	swait.ge [sflag:s1], $0x50  }
0x70: {  	[sflag:s1] =	ssyncset.done $0x0  }
0x71: {  	s14 =	sadd.s32 $0x0, s22;
	[sflag:s1] =	ssyncadd.s32 $0xFFFFFFB0  }
0x72: {  	[tilespmem:s5], [sflag:$0x1] =	stream.linear.gather [hbm4b:s14+s3], $0x50, $0x38;
	[tilespmem:$0x17900] =	vst v63  }
0x73: {  	_ =	swait.ge [sflag:s1], $0x50  }
0x74: {  	[sflag:s1] =	ssyncset.done $0x0  }
0x75: {  	[sflag:s1] =	ssyncadd.s32 $0xFFFFFFB0  }
0x76: {  	[tilespmem:s8], [sflag:$0x1] =	stream.indirect.gather [hbm4b:s4+s7], $0x80, s0, s7, $0xb8;
	[tilespmem:$0x17900] =	vst v63  }
0x77: {  	_ =	swait.ge [sflag:s1], $0x2800  }
0x78: {  	[sflag:s1] =	ssyncset.done $0x0  }
0x79: {  	[sflag:s1] =	ssyncadd.s32 $0xFFFFD800  }
0x7a: {  	[spmem:s2] =	stream.indirect.scatter.add.f32 [tilespmem:s8], [sflag:$0x1], $0x80, s5, s7, $0xb8;
	[tilespmem:$0x17900] =	vst v63  }
0x7b: {  	_ =	swait.ge [sflag:s1], $0x2800  }
0x7c: {  	s6 =	simm.s32 $0x14;
	s10 =	simm.s32 $0xA;
	[sflag:s1] =	ssyncset.done $0x0  }
.LBB2_2:
0x7d: {  	s12 =	sadd.s32 s10, s24  }
0x7e: {  	[sflag:s1] =	ssyncadd.s32 $0xFFFFD800;
	s13 =	smov.u32 s6;
	s14 =	sadd.s32 $0xA, s6  }
0x7f: {  	[tilespmem:s0], [sflag:$0x1] =	stream.linear.gather [hbm4b:s12+s3], $0x50, $0x38;
	[tilespmem:$0x17900] =	vst v63  }
0x80: {  	p0 =	sne.s32 s6, $0x4D8;
	_ =	swait.ge [sflag:s1], $0x50  }
0x81: {  	[sflag:s1] =	ssyncset.done $0x0  }
0x82: {  	s6 =	sadd.s32 s10, s22;
	s10 =	smov.u32 s13;
	[sflag:s1] =	ssyncadd.s32 $0xFFFFFFB0  }
0x83: {  	[tilespmem:s5], [sflag:$0x1] =	stream.linear.gather [hbm4b:s6+s3], $0x50, $0x38;
	[tilespmem:$0x17900] =	vst v63  }
0x84: {  	_ =	swait.ge [sflag:s1], $0x50  }
0x85: {  	[sflag:s1] =	ssyncset.done $0x0  }
0x86: {  	[sflag:s1] =	ssyncadd.s32 $0xFFFFFFB0  }
0x87: {  	[tilespmem:s8], [sflag:$0x1] =	stream.indirect.gather [hbm4b:s4+s7], $0x80, s0, s7, $0xb8;
	[tilespmem:$0x17900] =	vst v63  }
0x88: {  	_ =	swait.ge [sflag:s1], $0x2800  }
.Ltmp0:
0x89: {  	[sflag:s1] =	ssyncset.done $0x0;
	(pc) =	sbr.rel @p0 .LBB2_2-.Ltmp0, $4  }
0x8a: {  	[sflag:s1] =	ssyncadd.s32 $0xFFFFD800  }
0x8b: {  	[spmem:s2] =	stream.indirect.scatter.add.f32 [tilespmem:s8], [sflag:$0x1], $0x80, s5, s7, $0xb8;
	[tilespmem:$0x17900] =	vst v63  }
0x8c: {  	_ =	swait.ge [sflag:s1], $0x2800  }
0x8d: {  	s6 =	smov.u32 s14;
	[sflag:s1] =	ssyncset.done $0x0  }
0x8e: {  	s6 =	sadd.s32 s10, s24;
	[sflag:s1] =	ssyncadd.s32 $0xFFFFD800  }
0x8f: {  	[tilespmem:s0], [sflag:$0x1] =	stream.linear.gather [hbm4b:s6+s3], $0x50, $0x38;
	[tilespmem:$0x17900] =	vst v63  }
0x90: {  	_ =	swait.ge [sflag:s1], $0x50  }
0x91: {  	[sflag:s1] =	ssyncset.done $0x0  }
0x92: {  	s13 =	sadd.s32 s10, s22;
	[sflag:s1] =	ssyncadd.s32 $0xFFFFFFB0  }
0x93: {  	[tilespmem:s5], [sflag:$0x1] =	stream.linear.gather [hbm4b:s13+s3], $0x50, $0x38;
	[tilespmem:$0x17900] =	vst v63  }
0x94: {  	_ =	swait.ge [sflag:s1], $0x50  }
0x95: {  	[sflag:s1] =	ssyncset.done $0x0  }
0x96: {  	[sflag:s1] =	ssyncadd.s32 $0xFFFFFFB0  }
0x97: {  	[tilespmem:s8], [sflag:$0x1] =	stream.indirect.gather [hbm4b:s4+s7], $0x80, s0, s7, $0xb8;
	[tilespmem:$0x17900] =	vst v63  }
0x98: {  	_ =	swait.ge [sflag:s1], $0x2800  }
0x99: {  	[sflag:s1] =	ssyncset.done $0x0  }
0x9a: {  	[sflag:s1] =	ssyncadd.s32 $0xFFFFD800  }
0x9b: {  	[spmem:s2] =	stream.indirect.scatter.add.f32 [tilespmem:s8], [sflag:$0x1], $0x80, s5, s7, $0xb8;
	[tilespmem:$0x17900] =	vst v63  }
0x9c: {  	_ =	swait.ge [sflag:s1], $0x2800  }
0x9d: {  	[sflag:s1] =	ssyncset.done $0x0  }
0x9e: {  	[sflag:s1] =	ssyncadd.s32 $0xFFFFD800  }
0x9f: {  	[bflag:$0x0] =	sbarrier.arrive $0xFFFF  }
0xa0: {  	[tilespmem:s31], [sflag:$0x1] =	stream.linear.gather [spmem:s11], $0x1000, $0x38;
	[tilespmem:$0x17900] =	vst v63  }
0xa1: {  	_ =	swait.ge [sflag:s1], $0x1000  }
0xa2: {  	[sflag:s1] =	ssyncset.done $0x0  }
0xa3: {  	s14 =	sadd.s32 $0x0, s25;
	[sflag:s1] =	ssyncadd.s32 $0xFFFFF000  }
0xa4: {  	[hbm4b:s14+s3] =	stream.linear.scatter [tilespmem:s31], [sflag:$0x1], $0x1000, $0x38;
	[tilespmem:$0x17900] =	vst v63  }
0xa5: {  	_ =	swait.ge [sflag:s1], $0x1000  }
0xa6: {  	s10 =	simm.s32 $0x200;
	s6 =	smov.u32 s11;
	[sflag:s1] =	ssyncset.done $0x0  }
.LBB2_4:
0xa7: {  	p0 =	sne.s32 s10, $0x2600;
	[sflag:s1] =	ssyncadd.s32 $0xFFFFF000;
	s6 =	sadd.s32 $0x1000, s6  }
0xa8: {  	[tilespmem:s31], [sflag:$0x1] =	stream.linear.gather [spmem:s6], $0x1000, $0x38;
	[tilespmem:$0x17900] =	vst v63  }
0xa9: {  	s12 =	smov.u32 s10;
	s10 =	sadd.s32 $0x200, s10;
	_ =	swait.ge [sflag:s1], $0x1000  }
.Ltmp1:
0xaa: {  	[sflag:s1] =	ssyncset.done $0x0;
	(pc) =	sbr.rel @p0 .LBB2_4-.Ltmp1, $4  }
0xab: {  	s12 =	sadd.s32 s12, s25;
	[sflag:s1] =	ssyncadd.s32 $0xFFFFF000  }
0xac: {  	[hbm4b:s12+s3] =	stream.linear.scatter [tilespmem:s31], [sflag:$0x1], $0x1000, $0x38;
	[tilespmem:$0x17900] =	vst v63  }
0xad: {  	_ =	swait.ge [sflag:s1], $0x1000  }
0xae: {  	[sflag:s1] =	ssyncset.done $0x0  }
0xaf: {  	s9 =	sadd.s32 $0x1, s9;
	s6 =	rddreg [dreg:$0x5]  }
0xb0: {  	p0 =	sne.s32 s9, s6  }
.Ltmp2:
0xb1: {  	_ = 	snop;
	(pc) =	sbr.rel @p0 .LBB2_1-.Ltmp2, $2  }
0xb2: {  	_ =	sdelay $0x2  }
0xb3: {  	[sflag:s1] =	ssyncadd.s32 $0xFFFFF000  }
0xb4: {  	_ =	sfence.sel $0x180000  }
0xb5: {  	[bflag:$0x0] =	sbarrier.arrive $0xFFFF  }
0xb6: {  	_ =	strace $0x90000047  }
0xb7: {  	s0 =	stileid.u32;
	[bflag:$0x2] =	sbarrier.arrive $0xFFFF  }
0xb8: {  	p0 =	sne.s32 s0, $0x0;
	s0 =	rddreg [dreg:$0x3]  }
0xb9: {  	s0 =	sadd.s32 @!p0 $0x100000, s0  }
0xba: {  	[sflag:s0] =	ssyncadd.tile.s32 @!p0 $0x1;
	_ =	shalt  }
.Lfunc_end2:
_tile_overlayer_lowered:
.L_overlay_start_2:
0xbb: {  	(tag) =	ssettag $0x2  }
0xbc: {  	s0 =	rddreg [dreg:$0x0];
	s2 =	stileid.u32  }
0xbd: {  	s1 =	rddreg [dreg:$0x1];
	p0 =	sne.s32 s2, $0x0  }
0xbe: {  	s3 =	rddreg [dreg:$0x2];
	[bflag:$0x3] =	sbarrier.arrive $0xFFFF;
	s2 =	simm.s32 @!p0 $0x1C01  }
0xbf: {  	[timem:s3], [sflag:s2] =	dma.local @!p0 [hbm:s0], s1  }
0xc0: {  	s0 =	simm.s32 @!p0 $0x1  }
0xc1: {  	_ =	swait.ge @!p0 [sflag:s0], s1  }
0xc2: {  	s1 =	ssub.s32 @!p0 $0x0, s1;
	[sflag:s0] =	ssyncset.done @!p0 $0x0  }
0xc3: {  	[sflag:s0] =	ssyncadd.s32 @!p0 s1  }
0xc4: {  	[bflag:$0x3] =	sbarrier.arrive $0xFFFF  }
0xc5: {  	_ =	shalt  }

// kernel: seg_sum.7.cloned.1.call-start
scs
__scs_entry_jumppad:
0x0: {  	(pc) =	sbr.rel $0x88, $3  }
0x1: {  	(tag) =	ssettag $0x0;
	lr =	simm.s32 $0x1  }
0x2: {  	[smem:$0x3F99] =	sst lr;
	_ =	strace $0xD0000000  }
0x3: {  	_ = 	snop  }
0x4: {  	_ = 	snop  }
0x5: {  	_ = 	snop  }
0x6: {  	_ = 	snop  }
0x7: {  	_ = 	snop  }
__scs_overlays_trampoline_lowered:
0x8: {  	[smem:$0x3FA8] =	sst s0  }
0x9: {  	[smem:$0x3FA9] =	sst s1  }
0xa: {  	[smem:$0x3FAA] =	sst s2  }
0xb: {  	[smem:$0x3FAB] =	sst s3  }
0xc: {  	[smem:$0x3FAC] =	sst s4  }
0xd: {  	[smem:$0x3FAD] =	sst s5  }
0xe: {  	[smem:$0x3FAE] =	sst s6  }
0xf: {  	[smem:$0x3FAF] =	sst s7  }
0x10: {  	[smem:$0x3FB0] =	sst s8  }
0x11: {  	[smem:$0x3FB1] =	sst s9;
	s0 =	simm.s32 @!p0 $0x0  }
0x12: {  	s1 =	sld [smem:$0x3F97];
	s0 =	simm.s32 @p0 $0x1  }
0x13: {  	[smem:$0x3FB2] =	sst s0;
	s0 =	simm.s32 @!p1 $0x0  }
0x14: {  	s2 =	sld [smem:$0x3F96];
	s0 =	simm.s32 @p1 $0x1  }
0x15: {  	[smem:$0x3FB3] =	sst s0;
	s0 =	simm.s32 @!p2 $0x0  }
0x16: {  	s3 =	sld [smem:$0x3FDB];
	s0 =	simm.s32 @p2 $0x1  }
0x17: {  	s4 =	simm.s32 $0x1BF5;
	[smem:$0x3FB5] =	sst s0  }
0x18: {  	s0 =	sld [smem:$0x3F98];
	_ =	swait.ge [sflag:s4], $0x0  }
0x19: {  	s7 =	sld [smem:$0x3F99]  }
0x1a: {  	s8 =	sadd.s32 $0xFFFFE003, lr  }
0x1b: {  	s9 =	sadd.s32 $0xFFFFFEF7, lr;
	s5 =	simm.s32 $0xFFFFFFFF;
	p2 =	slt.u32 s8, $0xFFFFF086  }
0x1c: {  	p1 =	slt.u32 s9, $0xF7A;
	s5 =	simm.s32 @!p2 $0x0  }
0x1d: {  	s5 =	simm.s32 @p1 $0x1;
	p0 =	seq.s32 s7, s2  }
0x1e: {  	s7 =	smul.u32 @!p0 $0xF7A, s2;
	p2 =	seq.s32 @!p0 s5, $0x0  }
0x1f: {  	s9 =	smul.u32 $0xF7A, s1;
	s8 =	simm.s32 @!p0 $0x1BF5;
	p2 =	por !p2, p0  }
0x20: {  	[sflag:s8] =	ssyncset.s32 @!p0 $0xFFFFF086;
	s6 =	sadd.s32 @!p0 s3, s7;
	s7 =	simm.s32 @!p0 $0x108  }
0x21: {  	s3 =	sadd.s32 s3, s9;
	s6 =	sadd.s32 @!p0 $0x88, s6;
	s7 =	simm.s32 @p2 $0x1082  }
0x22: {  	[simem:s7], [sflag:s8] =	dma.local @!p0 [hbm:s6], $0xF7A  }
0x23: {  	s9 =	sor.u32 $0xD0000000, s2;
	s6 =	simm.s32 $0x108;
	_ =	swait.ge @!p0 [sflag:s8], $0x0  }
0x24: {  	s3 =	sadd.s32 $0x88, s3;
	s6 =	simm.s32 @!p1 $0x1082;
	[sflag:s4] =	ssyncset.s32 $0xFFFFF086  }
0x25: {  	[simem:s6], [sflag:s4] =	dma.local [hbm:s3], $0xF7A  }
0x26: {  	[smem:$0x3F99] =	sst s1;
	(tag) =	ssettag s2;
	_ =	strace s9  }
0x27: {  	s1 =	sld [smem:$0x3FA9]  }
0x28: {  	s2 =	sld [smem:$0x3FAA]  }
0x29: {  	s4 =	sld [smem:$0x3FAC]  }
0x2a: {  	p0 =	seq.s32 s5, $0x0;
	s5 =	sld [smem:$0x3FAD]  }
0x2b: {  	s6 =	sld [smem:$0x3FAE]  }
0x2c: {  	s7 =	sld [smem:$0x3FAF]  }
0x2d: {  	s3 =	simm.s32 $0x108;
	s8 =	sld [smem:$0x3FB0]  }
0x2e: {  	s3 =	simm.s32 @!p0 $0x1082;
	s9 =	sld [smem:$0x3FB1]  }
0x2f: {  	lr =	sadd.s32 s0, s3;
	s0 =	sld [smem:$0x3FA8]  }
0x30: {  	s3 =	sld [smem:$0x3FAB]  }
0x31: {  	[smem:$0x3FB4] =	sst s10  }
0x32: {  	s10 =	sld [smem:$0x3FB2];
	_ =	sdelay $0x3  }
0x33: {  	p0 =	seq.s32 s10, $0x1;
	s10 =	sld [smem:$0x3FB4];
	_ =	sdelay $0x3  }
0x34: {  	[smem:$0x3FB4] =	sst s10  }
0x35: {  	s10 =	sld [smem:$0x3FB3];
	_ =	sdelay $0x3  }
0x36: {  	p1 =	seq.s32 s10, $0x1;
	s10 =	sld [smem:$0x3FB4];
	_ =	sdelay $0x3  }
0x37: {  	[smem:$0x3FB4] =	sst s10  }
0x38: {  	s10 =	sld [smem:$0x3FB5]  }
0x39: {  	_ = 	snop;
	(pc) =	sbr.ind lr, $3  }
0x3a: {  	_ = 	snop  }
0x3b: {  	_ = 	snop  }
0x3c: {  	p2 =	seq.s32 s10, $0x1;
	s10 =	sld [smem:$0x3FB4]  }
0x3d: {  	_ =	shalt  }
0x3e: {  	_ =	shalt  }
0x3f: {  	_ =	shalt  }
0x40: {  	_ =	shalt  }
0x41: {  	_ =	shalt  }
0x42: {  	_ =	shalt  }
0x43: {  	_ =	shalt  }
0x44: {  	_ =	shalt  }
0x45: {  	_ =	shalt  }
0x46: {  	_ =	shalt  }
0x47: {  	_ =	shalt  }
0x48: {  	_ =	shalt  }
0x49: {  	_ =	shalt  }
0x4a: {  	_ =	shalt  }
0x4b: {  	_ =	shalt  }
0x4c: {  	_ =	shalt  }
0x4d: {  	_ =	shalt  }
0x4e: {  	_ =	shalt  }
0x4f: {  	_ =	shalt  }
0x50: {  	_ =	shalt  }
0x51: {  	_ =	shalt  }
0x52: {  	_ =	shalt  }
0x53: {  	_ =	shalt  }
0x54: {  	_ =	shalt  }
0x55: {  	_ =	shalt  }
0x56: {  	_ =	shalt  }
0x57: {  	_ =	shalt  }
0x58: {  	_ =	shalt  }
0x59: {  	_ =	shalt  }
0x5a: {  	_ =	shalt  }
0x5b: {  	_ =	shalt  }
0x5c: {  	_ =	shalt  }
0x5d: {  	_ =	shalt  }
0x5e: {  	_ =	shalt  }
0x5f: {  	_ =	shalt  }
0x60: {  	_ =	shalt  }
0x61: {  	_ =	shalt  }
0x62: {  	_ =	shalt  }
0x63: {  	_ =	shalt  }
0x64: {  	_ =	shalt  }
0x65: {  	_ =	shalt  }
0x66: {  	_ =	shalt  }
0x67: {  	_ =	shalt  }
0x68: {  	_ =	shalt  }
0x69: {  	_ =	shalt  }
0x6a: {  	_ =	shalt  }
0x6b: {  	_ =	shalt  }
0x6c: {  	_ =	shalt  }
0x6d: {  	_ =	shalt  }
0x6e: {  	_ =	shalt  }
0x6f: {  	_ =	shalt  }
0x70: {  	_ =	shalt  }
0x71: {  	_ =	shalt  }
0x72: {  	_ =	shalt  }
0x73: {  	_ =	shalt  }
0x74: {  	_ =	shalt  }
0x75: {  	_ =	shalt  }
0x76: {  	_ =	shalt  }
0x77: {  	_ =	shalt  }
0x78: {  	_ =	shalt  }
0x79: {  	_ =	shalt  }
0x7a: {  	_ =	shalt  }
0x7b: {  	_ =	shalt  }
0x7c: {  	_ =	shalt  }
0x7d: {  	_ =	shalt  }
0x7e: {  	_ =	shalt  }
0x7f: {  	_ =	shalt  }
0x80: {  	_ =	shalt  }
0x81: {  	_ =	shalt  }
0x82: {  	_ =	shalt  }
0x83: {  	_ =	shalt  }
0x84: {  	_ =	shalt  }
0x85: {  	_ =	shalt  }
0x86: {  	_ =	shalt  }
0x87: {  	_ =	shalt  }
.Lfunc_end0:
.L_simem_size_0:
called_computation.1_lowered:
.L_overlay_start_0:
0x88: {  	s2 =	sld [smem:$0x3FD9]  }
0x89: {  	s3 =	sld [smem:$0x3FFE];
	_ =	sdelay $0x1  }
0x8a: {  	s1 =	srdreg.scid  }
0x8b: {  	s0 =	sand.u32 $0x1, s1  }
0x8c: {  	s17 =	sshll.u32 s0, $0xA;
	s2 =	sadd.s32 s3, s2  }
0x8d: {  	s2 =	sadd.s32 s2, s17  }
0x8e: {  	[smem:$0x3FC0] =	sst s2  }
0x8f: {  	_ = 	snop  }
0x90: {  	s2 =	sld [smem:$0x3FD0];
	(tm) =	ssettm $0x1  }
0x91: {  	s18 =	sld [smem:$0x3FFB];
	_ =	sdelay $0x3  }
0x92: {  	_ =	strace s18  }
0x93: {  	s3 =	sld [smem:$0x3FFC];
	_ =	sdelay $0x3  }
0x94: {  	_ =	strace s3  }
0x95: {  	s3 =	sld [smem:$0x3FFD];
	_ =	sdelay $0x3  }
0x96: {  	_ =	strace s3  }
0x97: {  	_ =	strace $0x8FFFFFFF  }
0x98: {  	s19 =	sld [smem:$0x3FDB];
	_ =	sdelay $0x1  }
0x99: {  	s4 =	simm.s32 $_scs_section_size  }
0x9a: {  	s5 =	simm.s32 $_size__tile_overlayer_lowered;
	s6 =	simm.s32 $_tile_overlayer_lowered  }
0x9b: {  	s22 =	simm.s32 $0x1BFF;
	s21 =	sshll.u32 s6, $0x1;
	s3 =	sadd.s32 s4, s19  }
0x9c: {  	s7 =	simm.s32 $0x0;
	s20 =	sshll.u32 s5, $0x1;
	s5 =	sadd.s32 s21, s3  }
0x9d: {  	[timem:s7], [sflag:s22] =	dma.local [hbm:s5], s20  }
0x9e: {  	_ =	swait.ge [sflag:s22], s20  }
0x9f: {  	s4 =	ssub.s32 $0x0, s20;
	[sflag:s22] =	ssyncset.done $0x0  }
0xa0: {  	[sflag:s22] =	ssyncadd.s32 s4;
	_ =	sdelay $0x1  }
0xa1: {  	s23 =	simm.s32 $0x1B8B  }
0xa2: {  	_ =	swait.ge [sflag:s23], $0x1  }
0xa3: {  	[sflag:s23] =	ssyncset.done $0x0  }
0xa4: {  	s25 =	simm.s32 $0x1B8E;
	s24 =	sld [smem:$0x3FFE];
	[sflag:s23] =	ssyncadd.s32 $0xFFFFFFFF  }
0xa5: {  	s26 =	simm.s32 $execute0_lowered;
	[smem:$0x3FD2] =	sst s25  }
0xa6: {  	s5 =	sshll.u32 s26, $0x1;
	_ =	strace $0x80000049;
	[dreg:$0x1] =	wrdreg $0xFFFFFFFF  }
0xa7: {  	s28 =	simm.s32 $_size_execute0_lowered;
	s3 =	sadd.s32 s3, s5;
	[dreg:$0x0] =	wrdreg $0x0  }
0xa8: {  	s5 =	sshll.u32 s28, $0x1;
	[dreg:$0x2] =	wrdreg s3  }
0xa9: {  	[dreg:$0x3] =	wrdreg s5  }
0xaa: {  	[dreg:$0x4] =	wrdreg $0xC0  }
0xab: {  	_ =	task [dreg:s7], $0x5FFFF  }
0xac: {  	[dreg:$0x1] =	wrdreg $0xFFFFFFFF  }
0xad: {  	[dreg:$0x0] =	wrdreg $0x60  }
0xae: {  	[dreg:$0x2] =	wrdreg s24  }
0xaf: {  	[dreg:$0x3] =	wrdreg s2  }
0xb0: {  	[dreg:$0x4] =	wrdreg $0x0  }
0xb1: {  	[dreg:$0x5] =	wrdreg $0x9  }
0xb2: {  	_ =	task.clear_ibuf [dreg:s7], $0x6FFFF;
	_ =	strace $0x90000049  }
0xb3: {  	s29 =	simm.s32 $0x9;
	_ =	strace $0x8000004B  }
0xb4: {  	_ =	swait.ge [sflag:s29], $0x1  }
0xb5: {  	[sflag:s29] =	ssyncadd.s32 $0xFFFFFFFF  }
0xb6: {  	_ =	strace $0x9000004B  }
0xb7: {  	_ =	sfence  }
0xb8: {  	s30 =	sld [smem:$0x0];
	_ =	sdelay $0x2  }
0xb9: {  	s31 =	sshll.u32 s1, $0xD;
	s1 =	sshrl.u32 s1, $0x2  }
0xba: {  	s3 =	sand.u32 $0x4000, s31;
	s1 =	sadd.s32 s1, s30  }
0xbb: {  	s0 =	sor.u32 s3, s0;
	s1 =	sshll.u32 s1, $0x11  }
0xbc: {  	s0 =	sor.u32 s1, s0  }
0xbd: {  	s0 =	sadd.s32 $0x8F2B, s0  }
0xbe: {  	[sflag:s0] =	ssyncadd.remote.s32 $0x1  }
0xbf: {  	_ =	sfence.sel $0xFFFF  }
0xc0: {  	[dreg:$0x0] =	wrdreg $0xFFFFFFFF;
	(pc) =	sbr.abs _section_cstart, $3  }
0xc1: {  	[dreg:$0x1] =	wrdreg $0xFFFFFFFF  }
0xc2: {  	_ =	task.clear_ibuf [dreg:s7], $0x2FFFF;
	_ =	strace $0x9FFFFFFF  }
0xc3: {  	(tm) =	ssettm $0x7FFFFFFF  }
tec
execute0_lowered:
.L_overlay_start_1:
0x0: {  	(tag) =	ssettag $0x1  }
0x1: {  	s0 =	rddreg [dreg:$0x0];
	s10 =	stileid.u32  }
0x2: {  	s1 =	srdreg.scid;
	s6 =	smul.u32 $0x2710, s10  }
0x3: {  	s5 =	rddreg [dreg:$0x1];
	s8 =	smul.u32 $0x14000, s10  }
0x4: {  	s2 =	rddreg [dreg:$0x2];
	s1 =	sand.u32 $0x1, s1;
	s10 =	smul.u32 $0x50000, s10  }
0x5: {  	s3 =	simm.s32 $0x0;
	s31 =	simm.s32 $0x16900;
	s4 =	smul.u32 $0x27100, s1  }
0x6: {  	[smem:$0x7FF] =	sst s3;
	s11 =	sadd.s32 $0x33800, s0;
	s18 =	smul.u32 $0x140000, s1  }
0x7: {  	_ =	strace $0x8000004A;
	[dreg:$0x4] =	wrdreg s11;
	s1 =	ssub.s32 $0x2, s1  }
0x8: {  	s19 =	sshrl.u32 s1, $0x1;
	s10 =	sshrl.u32 s10, $0x2;
	s4 =	sadd.s32 s6, s4  }
0x9: {  	s6 =	sadd.s32 s8, s18;
	s1 =	ssub.s32 s1, s19;
	s11 =	sadd.s32 s10, s2  }
0xa: {  	s8 =	simm.s32 $0x14100;
	s7 =	sshrl.u32 s4, $0x3;
	s4 =	sadd.s32 $0xB800, s0  }
0xb: {  	s6 =	sshrl.u32 s6, $0x3;
	s1 =	smax.u32 s1, $0x1;
	s20 =	sadd.s32 $0x1000, s11  }
0xc: {  	s21 =	sadd.s32 $0x2000, s11;
	s22 =	sadd.s32 $0x3000, s11;
	[dreg:$0x5] =	wrdreg s1  }
0xd: {  	s23 =	sadd.s32 $0x4000, s11;
	s24 =	sadd.s32 $0x5000, s11;
	[dreg:$0x6] =	wrdreg s20  }
0xe: {  	s25 =	sadd.s32 $0x6000, s11;
	s26 =	sadd.s32 $0x7000, s11;
	[dreg:$0x7] =	wrdreg s21  }
0xf: {  	s15 =	sadd.s32 $0x8000, s11;
	s16 =	sadd.s32 $0x9000, s11;
	[dreg:$0x8] =	wrdreg s22  }
0x10: {  	s17 =	sadd.s32 $0xA000, s11;
	s18 =	sadd.s32 $0xB000, s11;
	[dreg:$0x9] =	wrdreg s23  }
0x11: {  	s19 =	sadd.s32 $0xC000, s11;
	s28 =	sadd.s32 $0x11000, s11;
	[dreg:$0xa] =	wrdreg s24  }
0x12: {  	s29 =	sadd.s32 $0x12000, s11;
	s30 =	sadd.s32 $0x13000, s11;
	[dreg:$0xb] =	wrdreg s25  }
0x13: {  	s9 =	sadd.s32 s7, s0;
	s0 =	sadd.s32 s6, s0;
	[dreg:$0xc] =	wrdreg s26  }
0x14: {  	s20 =	sadd.s32 $0xD000, s11;
	s21 =	sadd.s32 $0xE000, s11;
	s22 =	sadd.s32 s7, s5  }
0x15: {  	s23 =	sadd.s32 $0xF000, s11;
	s26 =	sadd.s32 $0x10000, s11;
	s1 =	simm.s32 $0x1  }
0x16: {  	s5 =	simm.s32 $0x14080;
	s7 =	simm.s32 $0x50;
	s24 =	sadd.s32 $0x1A00, s9  }
0x17: {  	s25 =	sadd.s32 $0x33A00, s0;
	s0 =	simm.s32 $0x14000;
	s9 =	simm.s32 $0x0  }
.LBB2_1:
0x18: {  	s6 =	rddreg [dreg:$0x4]  }
0x19: {  	[tilespmem:s31], [sflag:$0x1] =	stream.linear.gather [hbm4b:s6+s3], $0x1000, $0x38;
	[tilespmem:$0x17900] =	vst v63  }
0x1a: {  	_ =	swait.ge [sflag:s1], $0x1000  }
0x1b: {  	[sflag:s1] =	ssyncset.done $0x0  }
0x1c: {  	[sflag:s1] =	ssyncadd.s32 $0xFFFFF000  }
0x1d: {  	[spmem:s11] =	stream.linear.scatter [tilespmem:s31], [sflag:$0x1], $0x1000, $0x38;
	[tilespmem:$0x17900] =	vst v63  }
0x1e: {  	_ =	swait.ge [sflag:s1], $0x1000  }
0x1f: {  	[sflag:s1] =	ssyncset.done $0x0  }
0x20: {  	s14 =	rddreg [dreg:$0x6];
	[sflag:s1] =	ssyncadd.s32 $0xFFFFF000  }
0x21: {  	[spmem:s14] =	stream.linear.scatter [tilespmem:s31], [sflag:$0x1], $0x1000, $0x38;
	[tilespmem:$0x17900] =	vst v63  }
0x22: {  	_ =	swait.ge [sflag:s1], $0x1000  }
0x23: {  	[sflag:s1] =	ssyncset.done $0x0  }
0x24: {  	s10 =	rddreg [dreg:$0x7];
	[sflag:s1] =	ssyncadd.s32 $0xFFFFF000  }
0x25: {  	[spmem:s10] =	stream.linear.scatter [tilespmem:s31], [sflag:$0x1], $0x1000, $0x38;
	[tilespmem:$0x17900] =	vst v63  }
0x26: {  	_ =	swait.ge [sflag:s1], $0x1000  }
0x27: {  	[sflag:s1] =	ssyncset.done $0x0  }
0x28: {  	s12 =	rddreg [dreg:$0x8];
	[sflag:s1] =	ssyncadd.s32 $0xFFFFF000  }
0x29: {  	[spmem:s12] =	stream.linear.scatter [tilespmem:s31], [sflag:$0x1], $0x1000, $0x38;
	[tilespmem:$0x17900] =	vst v63  }
0x2a: {  	_ =	swait.ge [sflag:s1], $0x1000  }
0x2b: {  	[sflag:s1] =	ssyncset.done $0x0  }
0x2c: {  	s13 =	rddreg [dreg:$0x9];
	[sflag:s1] =	ssyncadd.s32 $0xFFFFF000  }
0x2d: {  	[spmem:s13] =	stream.linear.scatter [tilespmem:s31], [sflag:$0x1], $0x1000, $0x38;
	[tilespmem:$0x17900] =	vst v63  }
0x2e: {  	_ =	swait.ge [sflag:s1], $0x1000  }
0x2f: {  	[sflag:s1] =	ssyncset.done $0x0  }
0x30: {  	s14 =	rddreg [dreg:$0xa];
	[sflag:s1] =	ssyncadd.s32 $0xFFFFF000  }
0x31: {  	[spmem:s14] =	stream.linear.scatter [tilespmem:s31], [sflag:$0x1], $0x1000, $0x38;
	[tilespmem:$0x17900] =	vst v63  }
0x32: {  	_ =	swait.ge [sflag:s1], $0x1000  }
0x33: {  	[sflag:s1] =	ssyncset.done $0x0  }
0x34: {  	s10 =	rddreg [dreg:$0xb];
	[sflag:s1] =	ssyncadd.s32 $0xFFFFF000  }
0x35: {  	[spmem:s10] =	stream.linear.scatter [tilespmem:s31], [sflag:$0x1], $0x1000, $0x38;
	[tilespmem:$0x17900] =	vst v63  }
0x36: {  	_ =	swait.ge [sflag:s1], $0x1000  }
0x37: {  	[sflag:s1] =	ssyncset.done $0x0  }
0x38: {  	s12 =	rddreg [dreg:$0xc];
	[sflag:s1] =	ssyncadd.s32 $0xFFFFF000  }
0x39: {  	[spmem:s12] =	stream.linear.scatter [tilespmem:s31], [sflag:$0x1], $0x1000, $0x38;
	[tilespmem:$0x17900] =	vst v63  }
0x3a: {  	_ =	swait.ge [sflag:s1], $0x1000  }
0x3b: {  	[sflag:s1] =	ssyncset.done $0x0  }
0x3c: {  	[sflag:s1] =	ssyncadd.s32 $0xFFFFF000  }
0x3d: {  	[spmem:s15] =	stream.linear.scatter [tilespmem:s31], [sflag:$0x1], $0x1000, $0x38;
	[tilespmem:$0x17900] =	vst v63  }
0x3e: {  	_ =	swait.ge [sflag:s1], $0x1000  }
0x3f: {  	[sflag:s1] =	ssyncset.done $0x0  }
0x40: {  	[sflag:s1] =	ssyncadd.s32 $0xFFFFF000  }
0x41: {  	[spmem:s16] =	stream.linear.scatter [tilespmem:s31], [sflag:$0x1], $0x1000, $0x38;
	[tilespmem:$0x17900] =	vst v63  }
0x42: {  	_ =	swait.ge [sflag:s1], $0x1000  }
0x43: {  	[sflag:s1] =	ssyncset.done $0x0  }
0x44: {  	[sflag:s1] =	ssyncadd.s32 $0xFFFFF000  }
0x45: {  	[spmem:s17] =	stream.linear.scatter [tilespmem:s31], [sflag:$0x1], $0x1000, $0x38;
	[tilespmem:$0x17900] =	vst v63  }
0x46: {  	_ =	swait.ge [sflag:s1], $0x1000  }
0x47: {  	[sflag:s1] =	ssyncset.done $0x0  }
0x48: {  	[sflag:s1] =	ssyncadd.s32 $0xFFFFF000  }
0x49: {  	[spmem:s18] =	stream.linear.scatter [tilespmem:s31], [sflag:$0x1], $0x1000, $0x38;
	[tilespmem:$0x17900] =	vst v63  }
0x4a: {  	_ =	swait.ge [sflag:s1], $0x1000  }
0x4b: {  	[sflag:s1] =	ssyncset.done $0x0  }
0x4c: {  	[sflag:s1] =	ssyncadd.s32 $0xFFFFF000  }
0x4d: {  	[spmem:s19] =	stream.linear.scatter [tilespmem:s31], [sflag:$0x1], $0x1000, $0x38;
	[tilespmem:$0x17900] =	vst v63  }
0x4e: {  	_ =	swait.ge [sflag:s1], $0x1000  }
0x4f: {  	[sflag:s1] =	ssyncset.done $0x0  }
0x50: {  	[sflag:s1] =	ssyncadd.s32 $0xFFFFF000  }
0x51: {  	[spmem:s20] =	stream.linear.scatter [tilespmem:s31], [sflag:$0x1], $0x1000, $0x38;
	[tilespmem:$0x17900] =	vst v63  }
0x52: {  	_ =	swait.ge [sflag:s1], $0x1000  }
0x53: {  	[sflag:s1] =	ssyncset.done $0x0  }
0x54: {  	[sflag:s1] =	ssyncadd.s32 $0xFFFFF000  }
0x55: {  	[spmem:s21] =	stream.linear.scatter [tilespmem:s31], [sflag:$0x1], $0x1000, $0x38;
	[tilespmem:$0x17900] =	vst v63  }
0x56: {  	_ =	swait.ge [sflag:s1], $0x1000  }
0x57: {  	[sflag:s1] =	ssyncset.done $0x0  }
0x58: {  	[sflag:s1] =	ssyncadd.s32 $0xFFFFF000  }
0x59: {  	[spmem:s23] =	stream.linear.scatter [tilespmem:s31], [sflag:$0x1], $0x1000, $0x38;
	[tilespmem:$0x17900] =	vst v63  }
0x5a: {  	_ =	swait.ge [sflag:s1], $0x1000  }
0x5b: {  	[sflag:s1] =	ssyncset.done $0x0  }
0x5c: {  	[sflag:s1] =	ssyncadd.s32 $0xFFFFF000  }
0x5d: {  	[spmem:s26] =	stream.linear.scatter [tilespmem:s31], [sflag:$0x1], $0x1000, $0x38;
	[tilespmem:$0x17900] =	vst v63  }
0x5e: {  	_ =	swait.ge [sflag:s1], $0x1000  }
0x5f: {  	[sflag:s1] =	ssyncset.done $0x0  }
0x60: {  	[sflag:s1] =	ssyncadd.s32 $0xFFFFF000  }
0x61: {  	[spmem:s28] =	stream.linear.scatter [tilespmem:s31], [sflag:$0x1], $0x1000, $0x38;
	[tilespmem:$0x17900] =	vst v63  }
0x62: {  	_ =	swait.ge [sflag:s1], $0x1000  }
0x63: {  	[sflag:s1] =	ssyncset.done $0x0  }
0x64: {  	[sflag:s1] =	ssyncadd.s32 $0xFFFFF000  }
0x65: {  	[spmem:s29] =	stream.linear.scatter [tilespmem:s31], [sflag:$0x1], $0x1000, $0x38;
	[tilespmem:$0x17900] =	vst v63  }
0x66: {  	_ =	swait.ge [sflag:s1], $0x1000  }
0x67: {  	[sflag:s1] =	ssyncset.done $0x0  }
0x68: {  	[sflag:s1] =	ssyncadd.s32 $0xFFFFF000  }
0x69: {  	[spmem:s30] =	stream.linear.scatter [tilespmem:s31], [sflag:$0x1], $0x1000, $0x38;
	[tilespmem:$0x17900] =	vst v63  }
0x6a: {  	_ =	swait.ge [sflag:s1], $0x1000  }
0x6b: {  	[sflag:s1] =	ssyncset.done $0x0  }
0x6c: {  	[sflag:s1] =	ssyncadd.s32 $0xFFFFF000  }
0x6d: {  	s13 =	sadd.s32 $0x0, s24;
	[bflag:$0x0] =	sbarrier.arrive $0xFFFF  }
0x6e: {  	[tilespmem:s0], [sflag:$0x1] =	stream.linear.gather [hbm4b:s13+s3], $0x50, $0x38;
	[tilespmem:$0x17900] =	vst v63  }
0x6f: {  	_ =	swait.ge [sflag:s1], $0x50  }
0x70: {  	[sflag:s1] =	ssyncset.done $0x0  }
0x71: {  	s14 =	sadd.s32 $0x0, s22;
	[sflag:s1] =	ssyncadd.s32 $0xFFFFFFB0  }
0x72: {  	[tilespmem:s5], [sflag:$0x1] =	stream.linear.gather [hbm4b:s14+s3], $0x50, $0x38;
	[tilespmem:$0x17900] =	vst v63  }
0x73: {  	_ =	swait.ge [sflag:s1], $0x50  }
0x74: {  	[sflag:s1] =	ssyncset.done $0x0  }
0x75: {  	[sflag:s1] =	ssyncadd.s32 $0xFFFFFFB0  }
0x76: {  	[tilespmem:s8], [sflag:$0x1] =	stream.indirect.gather [hbm4b:s4+s7], $0x80, s0, s7, $0xb8;
	[tilespmem:$0x17900] =	vst v63  }
0x77: {  	_ =	swait.ge [sflag:s1], $0x2800  }
0x78: {  	[sflag:s1] =	ssyncset.done $0x0  }
0x79: {  	[sflag:s1] =	ssyncadd.s32 $0xFFFFD800  }
0x7a: {  	[spmem:s2] =	stream.indirect.scatter.add.f32 [tilespmem:s8], [sflag:$0x1], $0x80, s5, s7, $0xb8;
	[tilespmem:$0x17900] =	vst v63  }
0x7b: {  	_ =	swait.ge [sflag:s1], $0x2800  }
0x7c: {  	s6 =	simm.s32 $0x14;
	s10 =	simm.s32 $0xA;
	[sflag:s1] =	ssyncset.done $0x0  }
.LBB2_2:
0x7d: {  	s12 =	sadd.s32 s10, s24  }
0x7e: {  	[sflag:s1] =	ssyncadd.s32 $0xFFFFD800;
	s13 =	smov.u32 s6;
	s14 =	sadd.s32 $0xA, s6  }
0x7f: {  	[tilespmem:s0], [sflag:$0x1] =	stream.linear.gather [hbm4b:s12+s3], $0x50, $0x38;
	[tilespmem:$0x17900] =	vst v63  }
0x80: {  	p0 =	sne.s32 s6, $0x4D8;
	_ =	swait.ge [sflag:s1], $0x50  }
0x81: {  	[sflag:s1] =	ssyncset.done $0x0  }
0x82: {  	s6 =	sadd.s32 s10, s22;
	s10 =	smov.u32 s13;
	[sflag:s1] =	ssyncadd.s32 $0xFFFFFFB0  }
0x83: {  	[tilespmem:s5], [sflag:$0x1] =	stream.linear.gather [hbm4b:s6+s3], $0x50, $0x38;
	[tilespmem:$0x17900] =	vst v63  }
0x84: {  	_ =	swait.ge [sflag:s1], $0x50  }
0x85: {  	[sflag:s1] =	ssyncset.done $0x0  }
0x86: {  	[sflag:s1] =	ssyncadd.s32 $0xFFFFFFB0  }
0x87: {  	[tilespmem:s8], [sflag:$0x1] =	stream.indirect.gather [hbm4b:s4+s7], $0x80, s0, s7, $0xb8;
	[tilespmem:$0x17900] =	vst v63  }
0x88: {  	_ =	swait.ge [sflag:s1], $0x2800  }
.Ltmp0:
0x89: {  	[sflag:s1] =	ssyncset.done $0x0;
	(pc) =	sbr.rel @p0 .LBB2_2-.Ltmp0, $4  }
0x8a: {  	[sflag:s1] =	ssyncadd.s32 $0xFFFFD800  }
0x8b: {  	[spmem:s2] =	stream.indirect.scatter.add.f32 [tilespmem:s8], [sflag:$0x1], $0x80, s5, s7, $0xb8;
	[tilespmem:$0x17900] =	vst v63  }
0x8c: {  	_ =	swait.ge [sflag:s1], $0x2800  }
0x8d: {  	s6 =	smov.u32 s14;
	[sflag:s1] =	ssyncset.done $0x0  }
0x8e: {  	s6 =	sadd.s32 s10, s24;
	[sflag:s1] =	ssyncadd.s32 $0xFFFFD800  }
0x8f: {  	[tilespmem:s0], [sflag:$0x1] =	stream.linear.gather [hbm4b:s6+s3], $0x50, $0x38;
	[tilespmem:$0x17900] =	vst v63  }
0x90: {  	_ =	swait.ge [sflag:s1], $0x50  }
0x91: {  	[sflag:s1] =	ssyncset.done $0x0  }
0x92: {  	s13 =	sadd.s32 s10, s22;
	[sflag:s1] =	ssyncadd.s32 $0xFFFFFFB0  }
0x93: {  	[tilespmem:s5], [sflag:$0x1] =	stream.linear.gather [hbm4b:s13+s3], $0x50, $0x38;
	[tilespmem:$0x17900] =	vst v63  }
0x94: {  	_ =	swait.ge [sflag:s1], $0x50  }
0x95: {  	[sflag:s1] =	ssyncset.done $0x0  }
0x96: {  	[sflag:s1] =	ssyncadd.s32 $0xFFFFFFB0  }
0x97: {  	[tilespmem:s8], [sflag:$0x1] =	stream.indirect.gather [hbm4b:s4+s7], $0x80, s0, s7, $0xb8;
	[tilespmem:$0x17900] =	vst v63  }
0x98: {  	_ =	swait.ge [sflag:s1], $0x2800  }
0x99: {  	[sflag:s1] =	ssyncset.done $0x0  }
0x9a: {  	[sflag:s1] =	ssyncadd.s32 $0xFFFFD800  }
0x9b: {  	[spmem:s2] =	stream.indirect.scatter.add.f32 [tilespmem:s8], [sflag:$0x1], $0x80, s5, s7, $0xb8;
	[tilespmem:$0x17900] =	vst v63  }
0x9c: {  	_ =	swait.ge [sflag:s1], $0x2800  }
0x9d: {  	[sflag:s1] =	ssyncset.done $0x0  }
0x9e: {  	[sflag:s1] =	ssyncadd.s32 $0xFFFFD800  }
0x9f: {  	[bflag:$0x0] =	sbarrier.arrive $0xFFFF  }
0xa0: {  	[tilespmem:s31], [sflag:$0x1] =	stream.linear.gather [spmem:s11], $0x1000, $0x38;
	[tilespmem:$0x17900] =	vst v63  }
0xa1: {  	_ =	swait.ge [sflag:s1], $0x1000  }
0xa2: {  	[sflag:s1] =	ssyncset.done $0x0  }
0xa3: {  	s14 =	sadd.s32 $0x0, s25;
	[sflag:s1] =	ssyncadd.s32 $0xFFFFF000  }
0xa4: {  	[hbm4b:s14+s3] =	stream.linear.scatter [tilespmem:s31], [sflag:$0x1], $0x1000, $0x38;
	[tilespmem:$0x17900] =	vst v63  }
0xa5: {  	_ =	swait.ge [sflag:s1], $0x1000  }
0xa6: {  	s10 =	simm.s32 $0x200;
	s6 =	smov.u32 s11;
	[sflag:s1] =	ssyncset.done $0x0  }
.LBB2_4:
0xa7: {  	p0 =	sne.s32 s10, $0x2600;
	[sflag:s1] =	ssyncadd.s32 $0xFFFFF000;
	s6 =	sadd.s32 $0x1000, s6  }
0xa8: {  	[tilespmem:s31], [sflag:$0x1] =	stream.linear.gather [spmem:s6], $0x1000, $0x38;
	[tilespmem:$0x17900] =	vst v63  }
0xa9: {  	s12 =	smov.u32 s10;
	s10 =	sadd.s32 $0x200, s10;
	_ =	swait.ge [sflag:s1], $0x1000  }
.Ltmp1:
0xaa: {  	[sflag:s1] =	ssyncset.done $0x0;
	(pc) =	sbr.rel @p0 .LBB2_4-.Ltmp1, $4  }
0xab: {  	s12 =	sadd.s32 s12, s25;
	[sflag:s1] =	ssyncadd.s32 $0xFFFFF000  }
0xac: {  	[hbm4b:s12+s3] =	stream.linear.scatter [tilespmem:s31], [sflag:$0x1], $0x1000, $0x38;
	[tilespmem:$0x17900] =	vst v63  }
0xad: {  	_ =	swait.ge [sflag:s1], $0x1000  }
0xae: {  	[sflag:s1] =	ssyncset.done $0x0  }
0xaf: {  	s9 =	sadd.s32 $0x1, s9;
	s6 =	rddreg [dreg:$0x5]  }
0xb0: {  	p0 =	sne.s32 s9, s6  }
.Ltmp2:
0xb1: {  	_ = 	snop;
	(pc) =	sbr.rel @p0 .LBB2_1-.Ltmp2, $2  }
0xb2: {  	_ =	sdelay $0x2  }
0xb3: {  	[sflag:s1] =	ssyncadd.s32 $0xFFFFF000  }
0xb4: {  	_ =	sfence.sel $0x180000  }
0xb5: {  	[bflag:$0x0] =	sbarrier.arrive $0xFFFF  }
0xb6: {  	_ =	strace $0x9000004A  }
0xb7: {  	s0 =	stileid.u32;
	[bflag:$0x2] =	sbarrier.arrive $0xFFFF  }
0xb8: {  	p0 =	sne.s32 s0, $0x0;
	s0 =	rddreg [dreg:$0x3]  }
0xb9: {  	s0 =	sadd.s32 @!p0 $0x100000, s0  }
0xba: {  	[sflag:s0] =	ssyncadd.tile.s32 @!p0 $0x1;
	_ =	shalt  }
.Lfunc_end2:
_tile_overlayer_lowered:
.L_overlay_start_2:
0xbb: {  	(tag) =	ssettag $0x2  }
0xbc: {  	s0 =	rddreg [dreg:$0x0];
	s2 =	stileid.u32  }
0xbd: {  	s1 =	rddreg [dreg:$0x1];
	p0 =	sne.s32 s2, $0x0  }
0xbe: {  	s3 =	rddreg [dreg:$0x2];
	[bflag:$0x3] =	sbarrier.arrive $0xFFFF;
	s2 =	simm.s32 @!p0 $0x1C01  }
0xbf: {  	[timem:s3], [sflag:s2] =	dma.local @!p0 [hbm:s0], s1  }
0xc0: {  	s0 =	simm.s32 @!p0 $0x1  }
0xc1: {  	_ =	swait.ge @!p0 [sflag:s0], s1  }
0xc2: {  	s1 =	ssub.s32 @!p0 $0x0, s1;
	[sflag:s0] =	ssyncset.done @!p0 $0x0  }
0xc3: {  	[sflag:s0] =	ssyncadd.s32 @!p0 s1  }
0xc4: {  	[bflag:$0x3] =	sbarrier.arrive $0xFFFF  }
0xc5: {  	_ =	shalt  }

</sc_bundles>
